<compile_context>
chip_gen: v7x
topology: tpu7x:2x2x1
jax: 0.10.2.dev20260603
libtpu: 0.0.44.dev20260713+nightly
codegen_flags: <defaults>
</compile_context>

<pallas_src>
import jax
import jax.numpy as jnp
from jax import lax
from jax.experimental import pallas as pl
from jax.experimental.pallas import tpu as pltpu
from jax.experimental.pallas import tpu_sc as plsc

CAP = 100000
D = 512
B = 16384
NW = 32
RNG = 3136
NVEC_POS = RNG // 16
NVEC_IDX = B // 16
LAST_RNG = CAP - (NW - 1) * RNG
CROWS = 32
LCROWS = 32
NBUF = 3

_DNUMS = lax.GatherDimensionNumbers(
    offset_dims=(), collapsed_slice_dims=(0,), start_index_map=(0,))


def _gather16(v, idxs):
    return lax.gather(v, idxs[:, None], _DNUMS, (1,),
                      mode=lax.GatherScatterMode.PROMISE_IN_BOUNDS)


def _body(bx_hbm, x_hbm, by_hbm, y_hbm, idx_hbm,
          outbx_hbm, outby_hbm,
          idx_v, y_v, pos, byseg, ilist, jlist, rowbuf, cbuf,
          csem, osem, gsem, ssem):
    c = lax.axis_index("c")
    s = lax.axis_index("s")
    wid = s * 2 + c
    lo = wid * RNG
    hi = jnp.minimum(lo + RNG, CAP)
    lane = lax.iota(jnp.int32, 16)

    cp_idx = pltpu.make_async_copy(idx_hbm, idx_v, gsem.at[0])
    cp_y = pltpu.make_async_copy(y_hbm, y_v, gsem.at[1])
    cp_idx.start()
    cp_y.start()

    @pl.when(wid < NW - 1)
    def _():
        pltpu.sync_copy(by_hbm.at[pl.ds(lo, RNG)], byseg.at[pl.ds(0, RNG)])

    @pl.when(wid == NW - 1)
    def _():
        pltpu.sync_copy(by_hbm.at[pl.ds(lo, LAST_RNG)],
                        byseg.at[pl.ds(0, LAST_RNG)])
    cp_idx.wait()
    cp_y.wait()

    def init_pos(i, _):
        pos[pl.ds(i * 16, 16)] = jnp.full((16,), -1, jnp.int32)
        return 0
    lax.fori_loop(0, NVEC_POS, init_pos, 0)

    shift_idx = jnp.minimum(lane + 1, 15)

    def scan_idx(vi, _):
        v = idx_v[pl.ds(vi * 16, 16)]
        j = vi * 16 + lane
        inr = (v >= lo) & (v < hi)
        key = jnp.where(inr, v * 16384 + j, jnp.int32(0x7FFFFFFF))
        ks, _ = plsc.sort_key_val(key, key)
        s_idx = lax.shift_right_arithmetic(ks, 14)
        s_j = ks & 16383
        nxt = _gather16(s_idx, shift_idx)
        keep = (s_idx < hi) & ((lane == 15) | (s_idx != nxt))
        addr = jnp.where(keep, s_idx - lo, 0)
        plsc.store_scatter(pos, [addr], s_j, mask=keep)
        return 0

    def _ring(n, crows, apc, mkbuf):
        def cin(k):
            b = lax.rem(k, NBUF)
            return pltpu.make_async_copy(
                bx_hbm.at[pl.ds(lo + k * crows, crows)],
                mkbuf(b, crows), csem.at[b])

        def cout(k):
            b = lax.rem(k, NBUF)
            return pltpu.make_async_copy(
                mkbuf(b, crows),
                outbx_hbm.at[pl.ds(lo + k * crows, crows)], osem.at[b])

        for b in range(NBUF - 1):
            cin(b).start()

        def step(k, _):
            cin(k).wait()
            cout(k).start()
            lax.fori_loop(k * apc, jnp.minimum((k + 1) * apc, NVEC_IDX),
                          scan_idx, 0)

            @pl.when(k >= 1)
            def _():
                cout(k - 1).wait()

            @pl.when(k + NBUF - 1 < n)
            def _():
                cin(k + NBUF - 1).start()
            return 0
        lax.fori_loop(0, n, step, 0)
        cout(n - 1).wait()

    tbuf = lambda b, cr: cbuf.at[b, pl.ds(0, cr)]

    @pl.when(wid < NW - 1)
    def _():
        _ring(RNG // CROWS, CROWS, -(-NVEC_IDX // (RNG // CROWS)), tbuf)

    @pl.when(wid == NW - 1)
    def _():
        _ring(LAST_RNG // LCROWS, LCROWS,
              -(-NVEC_IDX // (LAST_RNG // LCROWS)), tbuf)

    def compact(pi, cnt):
        pv = pos[pl.ds(pi * 16, 16)]
        m = pv >= 0
        mi = m.astype(jnp.int32)
        yv = plsc.load_gather(y_v, [jnp.where(m, pv, 0)], mask=m)
        bseg = byseg[pl.ds(pi * 16, 16)]
        byseg[pl.ds(pi * 16, 16)] = jnp.where(m, yv, bseg)
        tpos = cnt + plsc.cumsum(mi) - 1
        tpos = jnp.where(m, tpos, 0)
        plsc.store_scatter(jlist, [tpos], pv, mask=m)
        plsc.store_scatter(ilist, [tpos], lo + pi * 16 + lane, mask=m)
        return cnt + jnp.sum(mi)
    cnt = lax.fori_loop(0, NVEC_POS, compact, jnp.int32(0))

    zeros16 = jnp.zeros((16,), jnp.int32)
    bj = _gather16(jlist[pl.ds(0, 16)], zeros16)
    bi = _gather16(ilist[pl.ds(0, 16)], zeros16)
    plsc.store_scatter(jlist, [cnt + lane], bj)
    plsc.store_scatter(ilist, [cnt + lane], bi)
    nch = (cnt + 15) // 16

    def g(k):
        jv = jlist[pl.ds(k * 16, 16)]
        return pltpu.make_async_copy(
            x_hbm.at[jv], rowbuf.at[lax.rem(k, 4)], gsem.at[lax.rem(k, 4)])

    def sc(k):
        iv = ilist[pl.ds(k * 16, 16)]
        return pltpu.make_async_copy(
            rowbuf.at[lax.rem(k, 4)], outbx_hbm.at[iv], ssem.at[lax.rem(k, 4)])

    for t in range(4):
        @pl.when(t < nch)
        def _():
            g(t).start()

    def cstep(q, _):
        g(q).wait()
        sc(q).start()

        @pl.when(q >= 1)
        def _():
            sc(q - 1).wait()

        @pl.when((q >= 1) & (q + 3 < nch))
        def _():
            g(q + 3).start()
        return 0
    lax.fori_loop(0, nch, cstep, 0)

    @pl.when(nch > 0)
    def _():
        sc(nch - 1).wait()

    @pl.when(wid < NW - 1)
    def _():
        pltpu.sync_copy(byseg.at[pl.ds(0, RNG)], outby_hbm.at[pl.ds(lo, RNG)])

    @pl.when(wid == NW - 1)
    def _():
        pltpu.sync_copy(byseg.at[pl.ds(0, LAST_RNG)],
                        outby_hbm.at[pl.ds(lo, LAST_RNG)])


@jax.jit
def _scatter_overwrite(bx, x, by, y, idx):
    mesh = plsc.VectorSubcoreMesh(core_axis_name="c", subcore_axis_name="s")
    fn = pl.kernel(
        _body,
        out_type=(jax.ShapeDtypeStruct((CAP, D), jnp.float32),
                  jax.ShapeDtypeStruct((CAP,), jnp.int32)),
        mesh=mesh,
        compiler_params=pltpu.CompilerParams(needs_layout_passes=False),
        scratch_types=[
            pltpu.VMEM((B,), jnp.int32),
            pltpu.VMEM((B,), jnp.int32),
            pltpu.VMEM((RNG,), jnp.int32),
            pltpu.VMEM((RNG,), jnp.int32),
            pltpu.VMEM((RNG + 64,), jnp.int32),
            pltpu.VMEM((RNG + 64,), jnp.int32),
            pltpu.VMEM((4, 16, D), jnp.float32),
            pltpu.VMEM((NBUF, CROWS, D), jnp.float32),
            pltpu.SemaphoreType.DMA((NBUF,)),
            pltpu.SemaphoreType.DMA((NBUF,)),
            pltpu.SemaphoreType.DMA((4,)),
            pltpu.SemaphoreType.DMA((4,)),
        ],
    )
    return fn(bx, x, by, y, idx)


def kernel(bx, x, by, y, idx):
    return _scatter_overwrite(bx, x, by, y, idx)

# --- scband reference (transcript-rebuilt; emitter-appended) ---
"""Pipeline reference for scband-buffer-23390391894308 (READ-ONLY COPY).

The authoritative reference and input builder live on the scoring server;
editing this copy changes nothing except your own understanding.
"""

import jax, jax.numpy as jnp
import numpy as np

CAPACITY = 100000
D = 512
B = 16384
N_CLASSES = 10

def setup_inputs(seed: int = 0) -> dict:
    key = jax.random.key(seed)
    k_bx, k_x, k_by, k_y, k_idx = jax.random.split(key, 5)
    bx = jax.random.normal(k_bx, (CAPACITY, D), dtype=jnp.float32)
    x = jax.random.normal(k_x, (B, D), dtype=jnp.float32)
    by = jax.random.randint(k_by, (CAPACITY,), 0, N_CLASSES, dtype=jnp.int64)
    y = jax.random.randint(k_y, (B,), 0, N_CLASSES, dtype=jnp.int64)
    idx = jax.random.randint(k_idx, (B,), 0, CAPACITY, dtype=jnp.int64)
    return {"bx": bx, "x": x, "by": by, "y": y, "idx": idx}

def reference(bx, x, by, y, idx):
    # Faithful translation of Buffer.add_reservoir's overwrite path:
    #   buffer[idx_buffer] = data[idx_new_data]
    # i.e. scatter-overwrite of the incoming batch (x, y) into the
    # reservoir buffers (bx, by) at the sampled slot indices idx.
    new_bx = bx.at[idx].set(x)
    new_by = by.at[idx].set(y)
    return new_bx, new_by

if __name__ == "__main__":
    import jax
    _d = setup_inputs()
    print(jax.jit(kernel)(*tuple(_d.values())))

</pallas_src>

<mosaic_0001>
#map = affine_map<(d0, d1) -> (0, 0)>
#map1 = affine_map<(d0, d1) -> (0)>
module attributes {stable_mosaic.version = 14 : i64} {
  func.func @_body(%arg0: i32, %arg1: i32, %arg2: memref<100000x512xf32, #tpu.memory_space<hbm>>, %arg3: memref<16384x512xf32, #tpu.memory_space<hbm>>, %arg4: memref<100000xi32, #tpu.memory_space<hbm>>, %arg5: memref<16384xi32, #tpu.memory_space<hbm>>, %arg6: memref<16384xi32, #tpu.memory_space<hbm>>, %arg7: memref<100000x512xf32, #tpu.memory_space<hbm>>, %arg8: memref<100000xi32, #tpu.memory_space<hbm>>, %arg9: memref<16384xi32, #tpu.memory_space<vmem>>, %arg10: memref<16384xi32, #tpu.memory_space<vmem>>, %arg11: memref<3136xi32, #tpu.memory_space<vmem>>, %arg12: memref<3136xi32, #tpu.memory_space<vmem>>, %arg13: memref<3200xi32, #tpu.memory_space<vmem>>, %arg14: memref<3200xi32, #tpu.memory_space<vmem>>, %arg15: memref<4x16x512xf32, #tpu.memory_space<vmem>>, %arg16: memref<3x32x512xf32, #tpu.memory_space<vmem>>, %arg17: memref<3x!tpu.dma_semaphore, #tpu.memory_space<semaphore_mem>>, %arg18: memref<3x!tpu.dma_semaphore, #tpu.memory_space<semaphore_mem>>, %arg19: memref<4x!tpu.dma_semaphore, #tpu.memory_space<semaphore_mem>>, %arg20: memref<4x!tpu.dma_semaphore, #tpu.memory_space<semaphore_mem>>) attributes {dimension_semantics = [#tpu.dimension_semantics<core_parallel>, #tpu.dimension_semantics<subcore_parallel>], iteration_bounds = array<i64: 2, 16>, scalar_prefetch = 0 : i64, scratch_operands = 12 : i64, tpu.core_type = #tpu.core_type<sc_vector_subcore>, window_params = [{transform_indices = #map}, {transform_indices = #map}, {transform_indices = #map1}, {transform_indices = #map1}, {transform_indices = #map1}, {transform_indices = #map}, {transform_indices = #map1}]} {
    %mul3A = arith.constant 2 : i32
    %mul3A_0 = arith.muli %arg1, %mul3A : i32
    %add3A = arith.addi %mul3A_0, %arg0 : i32
    %mul3A_1 = arith.constant 3136 : i32
    %mul3A_2 = arith.muli %add3A, %mul3A_1 : i32
    %add3A_3 = arith.constant 3136 : i32
    %add3A_4 = arith.addi %mul3A_2, %add3A_3 : i32
    %min3A = arith.constant 100000 : i32
    %min3A_5 = arith.minsi %add3A_4, %min3A : i32
    %iota3A = tpu.iota {dimensions = array<i32: 0>} : vector<16xi32>
    %dma_start3A = arith.constant 0 : i32
    %dma_start3A_6 = tpu.memref_slice %arg19[%dma_start3A] : memref<4x!tpu.dma_semaphore, #tpu.memory_space<semaphore_mem>> -> memref<1x!tpu.dma_semaphore, #tpu.memory_space<semaphore_mem>>
    %dma_start3A_7 = tpu.memref_squeeze %dma_start3A_6 : memref<1x!tpu.dma_semaphore, #tpu.memory_space<semaphore_mem>> -> memref<!tpu.dma_semaphore, #tpu.memory_space<semaphore_mem>>
    tpu.enqueue_dma source(%arg6 : memref<16384xi32, #tpu.memory_space<hbm>>) target(%arg9 : memref<16384xi32, #tpu.memory_space<vmem>>) target_semaphore(%dma_start3A_7 : memref<!tpu.dma_semaphore, #tpu.memory_space<semaphore_mem>>)
    %dma_start3A_8 = arith.constant 1 : i32
    %dma_start3A_9 = tpu.memref_slice %arg19[%dma_start3A_8] : memref<4x!tpu.dma_semaphore, #tpu.memory_space<semaphore_mem>> -> memref<1x!tpu.dma_semaphore, #tpu.memory_space<semaphore_mem>>
    %dma_start3A_10 = tpu.memref_squeeze %dma_start3A_9 : memref<1x!tpu.dma_semaphore, #tpu.memory_space<semaphore_mem>> -> memref<!tpu.dma_semaphore, #tpu.memory_space<semaphore_mem>>
    tpu.enqueue_dma source(%arg5 : memref<16384xi32, #tpu.memory_space<hbm>>) target(%arg10 : memref<16384xi32, #tpu.memory_space<vmem>>) target_semaphore(%dma_start3A_10 : memref<!tpu.dma_semaphore, #tpu.memory_space<semaphore_mem>>)
    %lt3A = arith.constant 31 : i32
    %lt3A_11 = arith.cmpi slt, %add3A, %lt3A : i32
    %convert_element_type3A = arith.extui %lt3A_11 : i1 to i32
    %cond3A = arith.constant 0 : i32
    %cond3A_12 = arith.cmpi ne, %convert_element_type3A, %cond3A : i32
    scf.if %cond3A_12 {
      "tpu.region"() ({
        %run_scoped3A = tpu.sem_alloc : memref<!tpu.dma_semaphore, #tpu.memory_space<semaphore_mem>>
        %dma_start3A_127 = arith.constant 0 : i32
        %dma_start3A_128 = tpu.memref_slice %arg12[%dma_start3A_127] : memref<3136xi32, #tpu.memory_space<vmem>> -> memref<3136xi32, #tpu.memory_space<vmem>>
        %dma_start3A_129 = tpu.memref_slice %arg4[%mul3A_2] : memref<100000xi32, #tpu.memory_space<hbm>> -> memref<3136xi32, #tpu.memory_space<hbm>>
        %dma_start3A_130 = arith.constant 0 : i32
        %dma_start3A_131 = tpu.memref_slice %arg12[%dma_start3A_130] : memref<3136xi32, #tpu.memory_space<vmem>> -> memref<3136xi32, #tpu.memory_space<vmem>>
        %dma_start3A_132 = tpu.memref_slice %arg4[%mul3A_2] : memref<100000xi32, #tpu.memory_space<hbm>> -> memref<3136xi32, #tpu.memory_space<hbm>>
        tpu.enqueue_dma source(%dma_start3A_132 : memref<3136xi32, #tpu.memory_space<hbm>>) target(%dma_start3A_131 : memref<3136xi32, #tpu.memory_space<vmem>>) target_semaphore(%run_scoped3A : memref<!tpu.dma_semaphore, #tpu.memory_space<semaphore_mem>>)
        %dma_wait3A_133 = arith.constant 0 : i32
        %dma_wait3A_134 = tpu.memref_slice %arg12[%dma_wait3A_133] : memref<3136xi32, #tpu.memory_space<vmem>> -> memref<3136xi32, #tpu.memory_space<vmem>>
        %dma_wait3A_135 = tpu.memref_slice %arg4[%mul3A_2] : memref<100000xi32, #tpu.memory_space<hbm>> -> memref<3136xi32, #tpu.memory_space<hbm>>
        %dma_wait3A_136 = arith.constant 0 : i32
        %dma_wait3A_137 = tpu.memref_slice %arg12[%dma_wait3A_136] : memref<3136xi32, #tpu.memory_space<vmem>> -> memref<3136xi32, #tpu.memory_space<vmem>>
        %dma_wait3A_138 = tpu.memref_slice %arg4[%mul3A_2] : memref<100000xi32, #tpu.memory_space<hbm>> -> memref<3136xi32, #tpu.memory_space<hbm>>
        tpu.wait_dma2 semaphore(%run_scoped3A : memref<!tpu.dma_semaphore, #tpu.memory_space<semaphore_mem>>) src(%dma_wait3A_138 : memref<3136xi32, #tpu.memory_space<hbm>>) dst(%dma_wait3A_137 : memref<3136xi32, #tpu.memory_space<vmem>>)
        tpu.yield
      }) : () -> ()
    } else {
    }
    %eq3A = arith.constant 31 : i32
    %eq3A_13 = arith.cmpi eq, %add3A, %eq3A : i32
    %convert_element_type3A_14 = arith.extui %eq3A_13 : i1 to i32
    %cond3A_15 = arith.constant 0 : i32
    %cond3A_16 = arith.cmpi ne, %convert_element_type3A_14, %cond3A_15 : i32
    scf.if %cond3A_16 {
      "tpu.region"() ({
        %run_scoped3A = tpu.sem_alloc : memref<!tpu.dma_semaphore, #tpu.memory_space<semaphore_mem>>
        %dma_start3A_127 = arith.constant 0 : i32
        %dma_start3A_128 = tpu.memref_slice %arg12[%dma_start3A_127] : memref<3136xi32, #tpu.memory_space<vmem>> -> memref<2784xi32, #tpu.memory_space<vmem>>
        %dma_start3A_129 = tpu.memref_slice %arg4[%mul3A_2] : memref<100000xi32, #tpu.memory_space<hbm>> -> memref<2784xi32, #tpu.memory_space<hbm>>
        %dma_start3A_130 = arith.constant 0 : i32
        %dma_start3A_131 = tpu.memref_slice %arg12[%dma_start3A_130] : memref<3136xi32, #tpu.memory_space<vmem>> -> memref<2784xi32, #tpu.memory_space<vmem>>
        %dma_start3A_132 = tpu.memref_slice %arg4[%mul3A_2] : memref<100000xi32, #tpu.memory_space<hbm>> -> memref<2784xi32, #tpu.memory_space<hbm>>
        tpu.enqueue_dma source(%dma_start3A_132 : memref<2784xi32, #tpu.memory_space<hbm>>) target(%dma_start3A_131 : memref<2784xi32, #tpu.memory_space<vmem>>) target_semaphore(%run_scoped3A : memref<!tpu.dma_semaphore, #tpu.memory_space<semaphore_mem>>)
        %dma_wait3A_133 = arith.constant 0 : i32
        %dma_wait3A_134 = tpu.memref_slice %arg12[%dma_wait3A_133] : memref<3136xi32, #tpu.memory_space<vmem>> -> memref<2784xi32, #tpu.memory_space<vmem>>
        %dma_wait3A_135 = tpu.memref_slice %arg4[%mul3A_2] : memref<100000xi32, #tpu.memory_space<hbm>> -> memref<2784xi32, #tpu.memory_space<hbm>>
        %dma_wait3A_136 = arith.constant 0 : i32
        %dma_wait3A_137 = tpu.memref_slice %arg12[%dma_wait3A_136] : memref<3136xi32, #tpu.memory_space<vmem>> -> memref<2784xi32, #tpu.memory_space<vmem>>
        %dma_wait3A_138 = tpu.memref_slice %arg4[%mul3A_2] : memref<100000xi32, #tpu.memory_space<hbm>> -> memref<2784xi32, #tpu.memory_space<hbm>>
        tpu.wait_dma2 semaphore(%run_scoped3A : memref<!tpu.dma_semaphore, #tpu.memory_space<semaphore_mem>>) src(%dma_wait3A_138 : memref<2784xi32, #tpu.memory_space<hbm>>) dst(%dma_wait3A_137 : memref<2784xi32, #tpu.memory_space<vmem>>)
        tpu.yield
      }) : () -> ()
    } else {
    }
    %dma_wait3A = arith.constant 0 : i32
    %dma_wait3A_17 = tpu.memref_slice %arg19[%dma_wait3A] : memref<4x!tpu.dma_semaphore, #tpu.memory_space<semaphore_mem>> -> memref<1x!tpu.dma_semaphore, #tpu.memory_space<semaphore_mem>>
    %dma_wait3A_18 = tpu.memref_squeeze %dma_wait3A_17 : memref<1x!tpu.dma_semaphore, #tpu.memory_space<semaphore_mem>> -> memref<!tpu.dma_semaphore, #tpu.memory_space<semaphore_mem>>
    tpu.wait_dma2 semaphore(%dma_wait3A_18 : memref<!tpu.dma_semaphore, #tpu.memory_space<semaphore_mem>>) src(%arg6 : memref<16384xi32, #tpu.memory_space<hbm>>) dst(%arg9 : memref<16384xi32, #tpu.memory_space<vmem>>)
    %dma_wait3A_19 = arith.constant 1 : i32
    %dma_wait3A_20 = tpu.memref_slice %arg19[%dma_wait3A_19] : memref<4x!tpu.dma_semaphore, #tpu.memory_space<semaphore_mem>> -> memref<1x!tpu.dma_semaphore, #tpu.memory_space<semaphore_mem>>
    %dma_wait3A_21 = tpu.memref_squeeze %dma_wait3A_20 : memref<1x!tpu.dma_semaphore, #tpu.memory_space<semaphore_mem>> -> memref<!tpu.dma_semaphore, #tpu.memory_space<semaphore_mem>>
    tpu.wait_dma2 semaphore(%dma_wait3A_21 : memref<!tpu.dma_semaphore, #tpu.memory_space<semaphore_mem>>) src(%arg5 : memref<16384xi32, #tpu.memory_space<hbm>>) dst(%arg10 : memref<16384xi32, #tpu.memory_space<vmem>>)
    %scan3A = arith.constant 0 : i32
    %scan3A_22 = arith.constant 0 : i32
    %scan3A_23 = arith.constant 196 : i32
    %scan3A_24 = arith.addi %scan3A_22, %scan3A_23 : i32
    %scan3A_25 = arith.constant 1 : i32
    %scan3A_26 = scf.for %scan3A_127 = %scan3A_22 to %scan3A_24 step %scan3A_25 iter_args(%scan3A_128 = %scan3A) -> (i32)  : i32 {
      %broadcast_in_dim3A_129 = arith.constant -1 : i32
      %broadcast_in_dim3A_130 = vector.broadcast %broadcast_in_dim3A_129 : i32 to vector<16xi32>
      %mul3A_131 = arith.constant 16 : i32
      %mul3A_132 = arith.muli %scan3A_127, %mul3A_131 : i32
      %swap3A = arith.index_cast %mul3A_132 : i32 to index
      %swap3A_133 = tpu.vector_load %arg11[%swap3A] {strides = array<i32>} : memref<3136xi32, #tpu.memory_space<vmem>>, vector<16xi32>,
      tpu.vector_store %arg11[%swap3A], %broadcast_in_dim3A_130 {strides = array<i32>} : memref<3136xi32, #tpu.memory_space<vmem>>, vector<16xi32>,
      %scan3A_134 = arith.constant 0 : i32
      scf.yield %scan3A_134 : i32
    }
    %scan3A_27 = arith.constant 196 : i32
    %add3A_28 = arith.constant 1 : i32
    %add3A_29 = vector.broadcast %add3A_28 : i32 to vector<16xi32>
    %add3A_30 = arith.addi %iota3A, %add3A_29 : vector<16xi32>
    %min3A_31 = arith.constant 15 : i32
    %min3A_32 = vector.broadcast %min3A_31 : i32 to vector<16xi32>
    %min3A_33 = arith.minsi %add3A_30, %min3A_32 : vector<16xi32>
    %lt3A_34 = arith.constant 31 : i32
    %lt3A_35 = arith.cmpi slt, %add3A, %lt3A_34 : i32
    %convert_element_type3A_36 = arith.extui %lt3A_35 : i1 to i32
    %cond3A_37 = arith.constant 0 : i32
    %cond3A_38 = arith.cmpi ne, %convert_element_type3A_36, %cond3A_37 : i32
    scf.if %cond3A_38 {
      %rem3A_127 = arith.constant 0 : i32
      %rem3A_128 = arith.constant 3 : i32
      %rem3A_129 = arith.remsi %rem3A_127, %rem3A_128 : i32
      %add3A_130 = arith.constant 0 : i32
      %add3A_131 = arith.addi %mul3A_2, %add3A_130 : i32
      %dma_start3A_132 = arith.constant 0 : i32
      %dma_start3A_133 = arith.constant 0 : i32
      %dma_start3A_134 = tpu.memref_slice %arg16[%rem3A_129, %dma_start3A_132, %dma_start3A_133] : memref<3x32x512xf32, #tpu.memory_space<vmem>> -> memref<1x32x512xf32, #tpu.memory_space<vmem>>
      %dma_start3A_135 = tpu.memref_squeeze %dma_start3A_134 : memref<1x32x512xf32, #tpu.memory_space<vmem>> -> memref<32x512xf32, #tpu.memory_space<vmem>>
      %dma_start3A_136 = arith.constant 0 : i32
      %dma_start3A_137 = tpu.memref_slice %arg2[%add3A_131, %dma_start3A_136] : memref<100000x512xf32, #tpu.memory_space<hbm>> -> memref<32x512xf32, #tpu.memory_space<hbm>>
      %dma_start3A_138 = tpu.memref_slice %arg17[%rem3A_129] : memref<3x!tpu.dma_semaphore, #tpu.memory_space<semaphore_mem>> -> memref<1x!tpu.dma_semaphore, #tpu.memory_space<semaphore_mem>>
      %dma_start3A_139 = tpu.memref_squeeze %dma_start3A_138 : memref<1x!tpu.dma_semaphore, #tpu.memory_space<semaphore_mem>> -> memref<!tpu.dma_semaphore, #tpu.memory_space<semaphore_mem>>
      %dma_start3A_140 = arith.constant 0 : i32
      %dma_start3A_141 = arith.constant 0 : i32
      %dma_start3A_142 = tpu.memref_slice %arg16[%rem3A_129, %dma_start3A_140, %dma_start3A_141] : memref<3x32x512xf32, #tpu.memory_space<vmem>> -> memref<1x32x512xf32, #tpu.memory_space<vmem>>
      %dma_start3A_143 = tpu.memref_squeeze %dma_start3A_142 : memref<1x32x512xf32, #tpu.memory_space<vmem>> -> memref<32x512xf32, #tpu.memory_space<vmem>>
      %dma_start3A_144 = arith.constant 0 : i32
      %dma_start3A_145 = tpu.memref_slice %arg2[%add3A_131, %dma_start3A_144] : memref<100000x512xf32, #tpu.memory_space<hbm>> -> memref<32x512xf32, #tpu.memory_space<hbm>>
      tpu.enqueue_dma source(%dma_start3A_145 : memref<32x512xf32, #tpu.memory_space<hbm>>) target(%dma_start3A_143 : memref<32x512xf32, #tpu.memory_space<vmem>>) target_semaphore(%dma_start3A_139 : memref<!tpu.dma_semaphore, #tpu.memory_space<semaphore_mem>>)
      %rem3A_146 = arith.constant 1 : i32
      %rem3A_147 = arith.constant 3 : i32
      %rem3A_148 = arith.remsi %rem3A_146, %rem3A_147 : i32
      %add3A_149 = arith.constant 32 : i32
      %add3A_150 = arith.addi %mul3A_2, %add3A_149 : i32
      %dma_start3A_151 = arith.constant 0 : i32
      %dma_start3A_152 = arith.constant 0 : i32
      %dma_start3A_153 = tpu.memref_slice %arg16[%rem3A_148, %dma_start3A_151, %dma_start3A_152] : memref<3x32x512xf32, #tpu.memory_space<vmem>> -> memref<1x32x512xf32, #tpu.memory_space<vmem>>
      %dma_start3A_154 = tpu.memref_squeeze %dma_start3A_153 : memref<1x32x512xf32, #tpu.memory_space<vmem>> -> memref<32x512xf32, #tpu.memory_space<vmem>>
      %dma_start3A_155 = arith.constant 0 : i32
      %dma_start3A_156 = tpu.memref_slice %arg2[%add3A_150, %dma_start3A_155] : memref<100000x512xf32, #tpu.memory_space<hbm>> -> memref<32x512xf32, #tpu.memory_space<hbm>>
      %dma_start3A_157 = tpu.memref_slice %arg17[%rem3A_148] : memref<3x!tpu.dma_semaphore, #tpu.memory_space<semaphore_mem>> -> memref<1x!tpu.dma_semaphore, #tpu.memory_space<semaphore_mem>>
      %dma_start3A_158 = tpu.memref_squeeze %dma_start3A_157 : memref<1x!tpu.dma_semaphore, #tpu.memory_space<semaphore_mem>> -> memref<!tpu.dma_semaphore, #tpu.memory_space<semaphore_mem>>
      %dma_start3A_159 = arith.constant 0 : i32
      %dma_start3A_160 = arith.constant 0 : i32
      %dma_start3A_161 = tpu.memref_slice %arg16[%rem3A_148, %dma_start3A_159, %dma_start3A_160] : memref<3x32x512xf32, #tpu.memory_space<vmem>> -> memref<1x32x512xf32, #tpu.memory_space<vmem>>
      %dma_start3A_162 = tpu.memref_squeeze %dma_start3A_161 : memref<1x32x512xf32, #tpu.memory_space<vmem>> -> memref<32x512xf32, #tpu.memory_space<vmem>>
      %dma_start3A_163 = arith.constant 0 : i32
      %dma_start3A_164 = tpu.memref_slice %arg2[%add3A_150, %dma_start3A_163] : memref<100000x512xf32, #tpu.memory_space<hbm>> -> memref<32x512xf32, #tpu.memory_space<hbm>>
      tpu.enqueue_dma source(%dma_start3A_164 : memref<32x512xf32, #tpu.memory_space<hbm>>) target(%dma_start3A_162 : memref<32x512xf32, #tpu.memory_space<vmem>>) target_semaphore(%dma_start3A_158 : memref<!tpu.dma_semaphore, #tpu.memory_space<semaphore_mem>>)
      %scan3A_165 = arith.constant 0 : i32
      %scan3A_166 = arith.constant 0 : i32
      %scan3A_167 = arith.constant 98 : i32
      %scan3A_168 = arith.addi %scan3A_166, %scan3A_167 : i32
      %scan3A_169 = arith.constant 1 : i32
      %scan3A_170 = scf.for %scan3A_191 = %scan3A_166 to %scan3A_168 step %scan3A_169 iter_args(%scan3A_192 = %scan3A_165) -> (i32)  : i32 {
        %rem3A_193 = arith.constant 3 : i32
        %rem3A_194 = arith.remsi %scan3A_191, %rem3A_193 : i32
        %mul3A_195 = arith.constant 32 : i32
        %mul3A_196 = arith.muli %scan3A_191, %mul3A_195 : i32
        %add3A_197 = arith.addi %mul3A_2, %mul3A_196 : i32
        %dma_wait3A_198 = arith.constant 0 : i32
        %dma_wait3A_199 = arith.constant 0 : i32
        %dma_wait3A_200 = tpu.memref_slice %arg16[%rem3A_194, %dma_wait3A_198, %dma_wait3A_199] : memref<3x32x512xf32, #tpu.memory_space<vmem>> -> memref<1x32x512xf32, #tpu.memory_space<vmem>>
        %dma_wait3A_201 = tpu.memref_squeeze %dma_wait3A_200 : memref<1x32x512xf32, #tpu.memory_space<vmem>> -> memref<32x512xf32, #tpu.memory_space<vmem>>
        %dma_wait3A_202 = arith.constant 0 : i32
        %dma_wait3A_203 = tpu.memref_slice %arg2[%add3A_197, %dma_wait3A_202] : memref<100000x512xf32, #tpu.memory_space<hbm>> -> memref<32x512xf32, #tpu.memory_space<hbm>>
        %dma_wait3A_204 = tpu.memref_slice %arg17[%rem3A_194] : memref<3x!tpu.dma_semaphore, #tpu.memory_space<semaphore_mem>> -> memref<1x!tpu.dma_semaphore, #tpu.memory_space<semaphore_mem>>
        %dma_wait3A_205 = tpu.memref_squeeze %dma_wait3A_204 : memref<1x!tpu.dma_semaphore, #tpu.memory_space<semaphore_mem>> -> memref<!tpu.dma_semaphore, #tpu.memory_space<semaphore_mem>>
        %dma_wait3A_206 = arith.constant 0 : i32
        %dma_wait3A_207 = arith.constant 0 : i32
        %dma_wait3A_208 = tpu.memref_slice %arg16[%rem3A_194, %dma_wait3A_206, %dma_wait3A_207] : memref<3x32x512xf32, #tpu.memory_space<vmem>> -> memref<1x32x512xf32, #tpu.memory_space<vmem>>
        %dma_wait3A_209 = tpu.memref_squeeze %dma_wait3A_208 : memref<1x32x512xf32, #tpu.memory_space<vmem>> -> memref<32x512xf32, #tpu.memory_space<vmem>>
        %dma_wait3A_210 = arith.constant 0 : i32
        %dma_wait3A_211 = tpu.memref_slice %arg2[%add3A_197, %dma_wait3A_210] : memref<100000x512xf32, #tpu.memory_space<hbm>> -> memref<32x512xf32, #tpu.memory_space<hbm>>
        tpu.wait_dma2 semaphore(%dma_wait3A_205 : memref<!tpu.dma_semaphore, #tpu.memory_space<semaphore_mem>>) src(%dma_wait3A_211 : memref<32x512xf32, #tpu.memory_space<hbm>>) dst(%dma_wait3A_209 : memref<32x512xf32, #tpu.memory_space<vmem>>)
        %rem3A_212 = arith.constant 3 : i32
        %rem3A_213 = arith.remsi %scan3A_191, %rem3A_212 : i32
        %mul3A_214 = arith.constant 32 : i32
        %mul3A_215 = arith.muli %scan3A_191, %mul3A_214 : i32
        %add3A_216 = arith.addi %mul3A_2, %mul3A_215 : i32
        %dma_start3A_217 = arith.constant 0 : i32
        %dma_start3A_218 = arith.constant 0 : i32
        %dma_start3A_219 = tpu.memref_slice %arg16[%rem3A_213, %dma_start3A_217, %dma_start3A_218] : memref<3x32x512xf32, #tpu.memory_space<vmem>> -> memref<1x32x512xf32, #tpu.memory_space<vmem>>
        %dma_start3A_220 = tpu.memref_squeeze %dma_start3A_219 : memref<1x32x512xf32, #tpu.memory_space<vmem>> -> memref<32x512xf32, #tpu.memory_space<vmem>>
        %dma_start3A_221 = arith.constant 0 : i32
        %dma_start3A_222 = tpu.memref_slice %arg7[%add3A_216, %dma_start3A_221] : memref<100000x512xf32, #tpu.memory_space<hbm>> -> memref<32x512xf32, #tpu.memory_space<hbm>>
        %dma_start3A_223 = tpu.memref_slice %arg18[%rem3A_213] : memref<3x!tpu.dma_semaphore, #tpu.memory_space<semaphore_mem>> -> memref<1x!tpu.dma_semaphore, #tpu.memory_space<semaphore_mem>>
        %dma_start3A_224 = tpu.memref_squeeze %dma_start3A_223 : memref<1x!tpu.dma_semaphore, #tpu.memory_space<semaphore_mem>> -> memref<!tpu.dma_semaphore, #tpu.memory_space<semaphore_mem>>
        %dma_start3A_225 = arith.constant 0 : i32
        %dma_start3A_226 = tpu.memref_slice %arg7[%add3A_216, %dma_start3A_225] : memref<100000x512xf32, #tpu.memory_space<hbm>> -> memref<32x512xf32, #tpu.memory_space<hbm>>
        %dma_start3A_227 = arith.constant 0 : i32
        %dma_start3A_228 = arith.constant 0 : i32
        %dma_start3A_229 = tpu.memref_slice %arg16[%rem3A_213, %dma_start3A_227, %dma_start3A_228] : memref<3x32x512xf32, #tpu.memory_space<vmem>> -> memref<1x32x512xf32, #tpu.memory_space<vmem>>
        %dma_start3A_230 = tpu.memref_squeeze %dma_start3A_229 : memref<1x32x512xf32, #tpu.memory_space<vmem>> -> memref<32x512xf32, #tpu.memory_space<vmem>>
        tpu.enqueue_dma source(%dma_start3A_230 : memref<32x512xf32, #tpu.memory_space<vmem>>) target(%dma_start3A_226 : memref<32x512xf32, #tpu.memory_space<hbm>>) target_semaphore(%dma_start3A_224 : memref<!tpu.dma_semaphore, #tpu.memory_space<semaphore_mem>>)
        %mul3A_231 = arith.constant 11 : i32
        %mul3A_232 = arith.muli %scan3A_191, %mul3A_231 : i32
        %add3A_233 = arith.constant 1 : i32
        %add3A_234 = arith.addi %scan3A_191, %add3A_233 : i32
        %mul3A_235 = arith.constant 11 : i32
        %mul3A_236 = arith.muli %add3A_234, %mul3A_235 : i32
        %min3A_237 = arith.constant 1024 : i32
        %min3A_238 = arith.minsi %mul3A_236, %min3A_237 : i32
        %while3A_239 = arith.constant 0 : i32
        %while3A_240 = arith.subi %min3A_238, %mul3A_232 : i32
        %while3A_241 = arith.addi %mul3A_232, %while3A_240 : i32
        %while3A_242 = arith.constant 1 : i32
        %while3A_243 = arith.divsi %while3A_240, %while3A_242 : i32
        %while3A_244 = arith.muli %while3A_243, %while3A_242 : i32
        %while3A_245 = arith.addi %mul3A_232, %while3A_244 : i32
        %while3A_246 = arith.constant 1 : i32
        %while3A_247 = scf.for %while3A_264 = %mul3A_232 to %while3A_245 step %while3A_246 iter_args(%while3A_265 = %while3A_239) -> (i32)  : i32 {
          %mul3A_266 = arith.constant 16 : i32
          %mul3A_267 = arith.muli %while3A_264, %mul3A_266 : i32
          %get3A_268 = arith.index_cast %mul3A_267 : i32 to index
          %get3A_269 = tpu.vector_load %arg9[%get3A_268] {strides = array<i32>} : memref<16384xi32, #tpu.memory_space<vmem>>, vector<16xi32>,
          %mul3A_270 = arith.constant 16 : i32
          %mul3A_271 = arith.muli %while3A_264, %mul3A_270 : i32
          %add3A_272 = vector.broadcast %mul3A_271 : i32 to vector<16xi32>
          %add3A_273 = arith.addi %add3A_272, %iota3A : vector<16xi32>
          %ge3A_274 = vector.broadcast %mul3A_2 : i32 to vector<16xi32>
          %ge3A_275 = arith.cmpi sge, %get3A_269, %ge3A_274 : vector<16xi32>
          %lt3A_276 = vector.broadcast %min3A_5 : i32 to vector<16xi32>
          %lt3A_277 = arith.cmpi slt, %get3A_269, %lt3A_276 : vector<16xi32>
          %and3A_278 = arith.andi %ge3A_275, %lt3A_277 : vector<16xi1>
          %mul3A_279 = arith.constant 16384 : i32
          %mul3A_280 = vector.broadcast %mul3A_279 : i32 to vector<16xi32>
          %mul3A_281 = arith.muli %get3A_269, %mul3A_280 : vector<16xi32>
          %add3A_282 = arith.addi %mul3A_281, %add3A_273 : vector<16xi32>
          %jit3A_283 = arith.constant 2147483647 : i32
          %broadcast_in_dim3A_284 = vector.broadcast %jit3A_283 : i32 to vector<16xi32>
          %select_n3A_285 = arith.select %and3A_278, %add3A_282, %broadcast_in_dim3A_284 : vector<16xi1>, vector<16xi32>
          %masked_sort3A = arith.constant dense<true> : vector<16xi1>
          %masked_sort3A_286 = arith.constant -2147483648 : i32
          %masked_sort3A_287 = vector.broadcast %masked_sort3A_286 : i32 to vector<16xi32>
          %masked_sort3A_288 = arith.xori %select_n3A_285, %masked_sort3A_287 : vector<16xi32>
          %masked_sort3A_289, %masked_sort3A_290, %masked_sort3A_291 = tpu.sort %masked_sort3A_288, %select_n3A_285 masked %masked_sort3A : (vector<16xi32>, vector<16xi32>, vector<16xi1>) -> (vector<16xi1>, vector<16xi32>, vector<16xi32>)
          %masked_sort3A_292 = arith.xori %masked_sort3A_290, %masked_sort3A_287 : vector<16xi32>
          %shift_right_arithmetic3A = arith.constant 14 : i32
          %shift_right_arithmetic3A_293 = vector.broadcast %shift_right_arithmetic3A : i32 to vector<16xi32>
          %shift_right_arithmetic3A_294 = arith.shrsi %masked_sort3A_292, %shift_right_arithmetic3A_293 : vector<16xi32>
          %and3A_295 = arith.constant 16383 : i32
          %and3A_296 = vector.broadcast %and3A_295 : i32 to vector<16xi32>
          %and3A_297 = arith.andi %masked_sort3A_292, %and3A_296 : vector<16xi32>
          %broadcast_in_dim3A_298 = vector.shape_cast %min3A_33 : vector<16xi32> to vector<16x1xi32>
          %gather3A_299 = vector.shape_cast %broadcast_in_dim3A_298 : vector<16x1xi32> to vector<16xi32>
          %gather3A_300 = tpu.dynamic_gather %shift_right_arithmetic3A_294[%gather3A_299] in [0] : vector<16xi32>, vector<16xi32> -> vector<16xi32>
          %lt3A_301 = vector.broadcast %min3A_5 : i32 to vector<16xi32>
          %lt3A_302 = arith.cmpi slt, %shift_right_arithmetic3A_294, %lt3A_301 : vector<16xi32>
          %eq3A_303 = arith.constant 15 : i32
          %eq3A_304 = vector.broadcast %eq3A_303 : i32 to vector<16xi32>
          %eq3A_305 = arith.cmpi eq, %iota3A, %eq3A_304 : vector<16xi32>
          %ne3A_306 = arith.cmpi ne, %shift_right_arithmetic3A_294, %gather3A_300 : vector<16xi32>
          %or3A = arith.ori %eq3A_305, %ne3A_306 : vector<16xi1>
          %and3A_307 = arith.andi %lt3A_302, %or3A : vector<16xi1>
          %sub3A_308 = vector.broadcast %mul3A_2 : i32 to vector<16xi32>
          %sub3A_309 = arith.subi %shift_right_arithmetic3A_294, %sub3A_308 : vector<16xi32>
          %jit3A_310 = arith.constant 0 : i32
          %broadcast_in_dim3A_311 = vector.broadcast %jit3A_310 : i32 to vector<16xi32>
          %select_n3A_312 = arith.select %and3A_307, %sub3A_309, %broadcast_in_dim3A_311 : vector<16xi1>, vector<16xi32>
          tpu.vector_store_idx %arg11[%select_n3A_312], %and3A_297 masked %and3A_307 : memref<3136xi32, #tpu.memory_space<vmem>>[vector<16xi32>], vector<16xi32>, vector<16xi1>
          %while3A_313 = arith.constant 0 : i32
          scf.yield %while3A_313 : i32
        }
        %while3A_248 = arith.constant 1 : i32
        %while3A_249 = scf.for %while3A_264 = %while3A_245 to %while3A_241 step %while3A_248 iter_args(%while3A_265 = %while3A_247) -> (i32)  : i32 {
          %mul3A_266 = arith.constant 16 : i32
          %mul3A_267 = arith.muli %while3A_264, %mul3A_266 : i32
          %get3A_268 = arith.index_cast %mul3A_267 : i32 to index
          %get3A_269 = tpu.vector_load %arg9[%get3A_268] {strides = array<i32>} : memref<16384xi32, #tpu.memory_space<vmem>>, vector<16xi32>,
          %mul3A_270 = arith.constant 16 : i32
          %mul3A_271 = arith.muli %while3A_264, %mul3A_270 : i32
          %add3A_272 = vector.broadcast %mul3A_271 : i32 to vector<16xi32>
          %add3A_273 = arith.addi %add3A_272, %iota3A : vector<16xi32>
          %ge3A_274 = vector.broadcast %mul3A_2 : i32 to vector<16xi32>
          %ge3A_275 = arith.cmpi sge, %get3A_269, %ge3A_274 : vector<16xi32>
          %lt3A_276 = vector.broadcast %min3A_5 : i32 to vector<16xi32>
          %lt3A_277 = arith.cmpi slt, %get3A_269, %lt3A_276 : vector<16xi32>
          %and3A_278 = arith.andi %ge3A_275, %lt3A_277 : vector<16xi1>
          %mul3A_279 = arith.constant 16384 : i32
          %mul3A_280 = vector.broadcast %mul3A_279 : i32 to vector<16xi32>
          %mul3A_281 = arith.muli %get3A_269, %mul3A_280 : vector<16xi32>
          %add3A_282 = arith.addi %mul3A_281, %add3A_273 : vector<16xi32>
          %jit3A_283 = arith.constant 2147483647 : i32
          %broadcast_in_dim3A_284 = vector.broadcast %jit3A_283 : i32 to vector<16xi32>
          %select_n3A_285 = arith.select %and3A_278, %add3A_282, %broadcast_in_dim3A_284 : vector<16xi1>, vector<16xi32>
          %masked_sort3A = arith.constant dense<true> : vector<16xi1>
          %masked_sort3A_286 = arith.constant -2147483648 : i32
          %masked_sort3A_287 = vector.broadcast %masked_sort3A_286 : i32 to vector<16xi32>
          %masked_sort3A_288 = arith.xori %select_n3A_285, %masked_sort3A_287 : vector<16xi32>
          %masked_sort3A_289, %masked_sort3A_290, %masked_sort3A_291 = tpu.sort %masked_sort3A_288, %select_n3A_285 masked %masked_sort3A : (vector<16xi32>, vector<16xi32>, vector<16xi1>) -> (vector<16xi1>, vector<16xi32>, vector<16xi32>)
          %masked_sort3A_292 = arith.xori %masked_sort3A_290, %masked_sort3A_287 : vector<16xi32>
          %shift_right_arithmetic3A = arith.constant 14 : i32
          %shift_right_arithmetic3A_293 = vector.broadcast %shift_right_arithmetic3A : i32 to vector<16xi32>
          %shift_right_arithmetic3A_294 = arith.shrsi %masked_sort3A_292, %shift_right_arithmetic3A_293 : vector<16xi32>
          %and3A_295 = arith.constant 16383 : i32
          %and3A_296 = vector.broadcast %and3A_295 : i32 to vector<16xi32>
          %and3A_297 = arith.andi %masked_sort3A_292, %and3A_296 : vector<16xi32>
          %broadcast_in_dim3A_298 = vector.shape_cast %min3A_33 : vector<16xi32> to vector<16x1xi32>
          %gather3A_299 = vector.shape_cast %broadcast_in_dim3A_298 : vector<16x1xi32> to vector<16xi32>
          %gather3A_300 = tpu.dynamic_gather %shift_right_arithmetic3A_294[%gather3A_299] in [0] : vector<16xi32>, vector<16xi32> -> vector<16xi32>
          %lt3A_301 = vector.broadcast %min3A_5 : i32 to vector<16xi32>
          %lt3A_302 = arith.cmpi slt, %shift_right_arithmetic3A_294, %lt3A_301 : vector<16xi32>
          %eq3A_303 = arith.constant 15 : i32
          %eq3A_304 = vector.broadcast %eq3A_303 : i32 to vector<16xi32>
          %eq3A_305 = arith.cmpi eq, %iota3A, %eq3A_304 : vector<16xi32>
          %ne3A_306 = arith.cmpi ne, %shift_right_arithmetic3A_294, %gather3A_300 : vector<16xi32>
          %or3A = arith.ori %eq3A_305, %ne3A_306 : vector<16xi1>
          %and3A_307 = arith.andi %lt3A_302, %or3A : vector<16xi1>
          %sub3A_308 = vector.broadcast %mul3A_2 : i32 to vector<16xi32>
          %sub3A_309 = arith.subi %shift_right_arithmetic3A_294, %sub3A_308 : vector<16xi32>
          %jit3A_310 = arith.constant 0 : i32
          %broadcast_in_dim3A_311 = vector.broadcast %jit3A_310 : i32 to vector<16xi32>
          %select_n3A_312 = arith.select %and3A_307, %sub3A_309, %broadcast_in_dim3A_311 : vector<16xi1>, vector<16xi32>
          tpu.vector_store_idx %arg11[%select_n3A_312], %and3A_297 masked %and3A_307 : memref<3136xi32, #tpu.memory_space<vmem>>[vector<16xi32>], vector<16xi32>, vector<16xi1>
          %while3A_313 = arith.constant 0 : i32
          scf.yield %while3A_313 : i32
        }
        %ge3A = arith.constant 1 : i32
        %ge3A_250 = arith.cmpi sge, %scan3A_191, %ge3A : i32
        %convert_element_type3A_251 = arith.extui %ge3A_250 : i1 to i32
        %cond3A_252 = arith.constant 0 : i32
        %cond3A_253 = arith.cmpi ne, %convert_element_type3A_251, %cond3A_252 : i32
        scf.if %cond3A_253 {
          %sub3A_264 = arith.constant 1 : i32
          %sub3A_265 = arith.subi %scan3A_191, %sub3A_264 : i32
          %rem3A_266 = arith.constant 3 : i32
          %rem3A_267 = arith.remsi %sub3A_265, %rem3A_266 : i32
          %mul3A_268 = arith.constant 32 : i32
          %mul3A_269 = arith.muli %sub3A_265, %mul3A_268 : i32
          %add3A_270 = arith.addi %mul3A_2, %mul3A_269 : i32
          %dma_wait3A_271 = arith.constant 0 : i32
          %dma_wait3A_272 = arith.constant 0 : i32
          %dma_wait3A_273 = tpu.memref_slice %arg16[%rem3A_267, %dma_wait3A_271, %dma_wait3A_272] : memref<3x32x512xf32, #tpu.memory_space<vmem>> -> memref<1x32x512xf32, #tpu.memory_space<vmem>>
          %dma_wait3A_274 = tpu.memref_squeeze %dma_wait3A_273 : memref<1x32x512xf32, #tpu.memory_space<vmem>> -> memref<32x512xf32, #tpu.memory_space<vmem>>
          %dma_wait3A_275 = arith.constant 0 : i32
          %dma_wait3A_276 = tpu.memref_slice %arg7[%add3A_270, %dma_wait3A_275] : memref<100000x512xf32, #tpu.memory_space<hbm>> -> memref<32x512xf32, #tpu.memory_space<hbm>>
          %dma_wait3A_277 = tpu.memref_slice %arg18[%rem3A_267] : memref<3x!tpu.dma_semaphore, #tpu.memory_space<semaphore_mem>> -> memref<1x!tpu.dma_semaphore, #tpu.memory_space<semaphore_mem>>
          %dma_wait3A_278 = tpu.memref_squeeze %dma_wait3A_277 : memref<1x!tpu.dma_semaphore, #tpu.memory_space<semaphore_mem>> -> memref<!tpu.dma_semaphore, #tpu.memory_space<semaphore_mem>>
          %dma_wait3A_279 = arith.constant 0 : i32
          %dma_wait3A_280 = tpu.memref_slice %arg7[%add3A_270, %dma_wait3A_279] : memref<100000x512xf32, #tpu.memory_space<hbm>> -> memref<32x512xf32, #tpu.memory_space<hbm>>
          %dma_wait3A_281 = arith.constant 0 : i32
          %dma_wait3A_282 = arith.constant 0 : i32
          %dma_wait3A_283 = tpu.memref_slice %arg16[%rem3A_267, %dma_wait3A_281, %dma_wait3A_282] : memref<3x32x512xf32, #tpu.memory_space<vmem>> -> memref<1x32x512xf32, #tpu.memory_space<vmem>>
          %dma_wait3A_284 = tpu.memref_squeeze %dma_wait3A_283 : memref<1x32x512xf32, #tpu.memory_space<vmem>> -> memref<32x512xf32, #tpu.memory_space<vmem>>
          tpu.wait_dma2 semaphore(%dma_wait3A_278 : memref<!tpu.dma_semaphore, #tpu.memory_space<semaphore_mem>>) src(%dma_wait3A_284 : memref<32x512xf32, #tpu.memory_space<vmem>>) dst(%dma_wait3A_280 : memref<32x512xf32, #tpu.memory_space<hbm>>)
        } else {
        }
        %add3A_254 = arith.constant 3 : i32
        %add3A_255 = arith.addi %scan3A_191, %add3A_254 : i32
        %sub3A_256 = arith.constant 1 : i32
        %sub3A_257 = arith.subi %add3A_255, %sub3A_256 : i32
        %lt3A_258 = arith.constant 98 : i32
        %lt3A_259 = arith.cmpi slt, %sub3A_257, %lt3A_258 : i32
        %convert_element_type3A_260 = arith.extui %lt3A_259 : i1 to i32
        %cond3A_261 = arith.constant 0 : i32
        %cond3A_262 = arith.cmpi ne, %convert_element_type3A_260, %cond3A_261 : i32
        scf.if %cond3A_262 {
          %add3A_264 = arith.constant 3 : i32
          %add3A_265 = arith.addi %scan3A_191, %add3A_264 : i32
          %sub3A_266 = arith.constant 1 : i32
          %sub3A_267 = arith.subi %add3A_265, %sub3A_266 : i32
          %rem3A_268 = arith.constant 3 : i32
          %rem3A_269 = arith.remsi %sub3A_267, %rem3A_268 : i32
          %mul3A_270 = arith.constant 32 : i32
          %mul3A_271 = arith.muli %sub3A_267, %mul3A_270 : i32
          %add3A_272 = arith.addi %mul3A_2, %mul3A_271 : i32
          %dma_start3A_273 = arith.constant 0 : i32
          %dma_start3A_274 = arith.constant 0 : i32
          %dma_start3A_275 = tpu.memref_slice %arg16[%rem3A_269, %dma_start3A_273, %dma_start3A_274] : memref<3x32x512xf32, #tpu.memory_space<vmem>> -> memref<1x32x512xf32, #tpu.memory_space<vmem>>
          %dma_start3A_276 = tpu.memref_squeeze %dma_start3A_275 : memref<1x32x512xf32, #tpu.memory_space<vmem>> -> memref<32x512xf32, #tpu.memory_space<vmem>>
          %dma_start3A_277 = arith.constant 0 : i32
          %dma_start3A_278 = tpu.memref_slice %arg2[%add3A_272, %dma_start3A_277] : memref<100000x512xf32, #tpu.memory_space<hbm>> -> memref<32x512xf32, #tpu.memory_space<hbm>>
          %dma_start3A_279 = tpu.memref_slice %arg17[%rem3A_269] : memref<3x!tpu.dma_semaphore, #tpu.memory_space<semaphore_mem>> -> memref<1x!tpu.dma_semaphore, #tpu.memory_space<semaphore_mem>>
          %dma_start3A_280 = tpu.memref_squeeze %dma_start3A_279 : memref<1x!tpu.dma_semaphore, #tpu.memory_space<semaphore_mem>> -> memref<!tpu.dma_semaphore, #tpu.memory_space<semaphore_mem>>
          %dma_start3A_281 = arith.constant 0 : i32
          %dma_start3A_282 = arith.constant 0 : i32
          %dma_start3A_283 = tpu.memref_slice %arg16[%rem3A_269, %dma_start3A_281, %dma_start3A_282] : memref<3x32x512xf32, #tpu.memory_space<vmem>> -> memref<1x32x512xf32, #tpu.memory_space<vmem>>
          %dma_start3A_284 = tpu.memref_squeeze %dma_start3A_283 : memref<1x32x512xf32, #tpu.memory_space<vmem>> -> memref<32x512xf32, #tpu.memory_space<vmem>>
          %dma_start3A_285 = arith.constant 0 : i32
          %dma_start3A_286 = tpu.memref_slice %arg2[%add3A_272, %dma_start3A_285] : memref<100000x512xf32, #tpu.memory_space<hbm>> -> memref<32x512xf32, #tpu.memory_space<hbm>>
          tpu.enqueue_dma source(%dma_start3A_286 : memref<32x512xf32, #tpu.memory_space<hbm>>) target(%dma_start3A_284 : memref<32x512xf32, #tpu.memory_space<vmem>>) target_semaphore(%dma_start3A_280 : memref<!tpu.dma_semaphore, #tpu.memory_space<semaphore_mem>>)
        } else {
        }
        %scan3A_263 = arith.constant 0 : i32
        scf.yield %scan3A_263 : i32
      }
      %scan3A_171 = arith.constant 98 : i32
      %rem3A_172 = arith.constant 97 : i32
      %rem3A_173 = arith.constant 3 : i32
      %rem3A_174 = arith.remsi %rem3A_172, %rem3A_173 : i32
      %add3A_175 = arith.constant 3104 : i32
      %add3A_176 = arith.addi %mul3A_2, %add3A_175 : i32
      %dma_wait3A_177 = arith.constant 0 : i32
      %dma_wait3A_178 = arith.constant 0 : i32
      %dma_wait3A_179 = tpu.memref_slice %arg16[%rem3A_174, %dma_wait3A_177, %dma_wait3A_178] : memref<3x32x512xf32, #tpu.memory_space<vmem>> -> memref<1x32x512xf32, #tpu.memory_space<vmem>>
      %dma_wait3A_180 = tpu.memref_squeeze %dma_wait3A_179 : memref<1x32x512xf32, #tpu.memory_space<vmem>> -> memref<32x512xf32, #tpu.memory_space<vmem>>
      %dma_wait3A_181 = arith.constant 0 : i32
      %dma_wait3A_182 = tpu.memref_slice %arg7[%add3A_176, %dma_wait3A_181] : memref<100000x512xf32, #tpu.memory_space<hbm>> -> memref<32x512xf32, #tpu.memory_space<hbm>>
      %dma_wait3A_183 = tpu.memref_slice %arg18[%rem3A_174] : memref<3x!tpu.dma_semaphore, #tpu.memory_space<semaphore_mem>> -> memref<1x!tpu.dma_semaphore, #tpu.memory_space<semaphore_mem>>
      %dma_wait3A_184 = tpu.memref_squeeze %dma_wait3A_183 : memref<1x!tpu.dma_semaphore, #tpu.memory_space<semaphore_mem>> -> memref<!tpu.dma_semaphore, #tpu.memory_space<semaphore_mem>>
      %dma_wait3A_185 = arith.constant 0 : i32
      %dma_wait3A_186 = tpu.memref_slice %arg7[%add3A_176, %dma_wait3A_185] : memref<100000x512xf32, #tpu.memory_space<hbm>> -> memref<32x512xf32, #tpu.memory_space<hbm>>
      %dma_wait3A_187 = arith.constant 0 : i32
      %dma_wait3A_188 = arith.constant 0 : i32
      %dma_wait3A_189 = tpu.memref_slice %arg16[%rem3A_174, %dma_wait3A_187, %dma_wait3A_188] : memref<3x32x512xf32, #tpu.memory_space<vmem>> -> memref<1x32x512xf32, #tpu.memory_space<vmem>>
      %dma_wait3A_190 = tpu.memref_squeeze %dma_wait3A_189 : memref<1x32x512xf32, #tpu.memory_space<vmem>> -> memref<32x512xf32, #tpu.memory_space<vmem>>
      tpu.wait_dma2 semaphore(%dma_wait3A_184 : memref<!tpu.dma_semaphore, #tpu.memory_space<semaphore_mem>>) src(%dma_wait3A_190 : memref<32x512xf32, #tpu.memory_space<vmem>>) dst(%dma_wait3A_186 : memref<32x512xf32, #tpu.memory_space<hbm>>)
    } else {
    }
    %eq3A_39 = arith.constant 31 : i32
    %eq3A_40 = arith.cmpi eq, %add3A, %eq3A_39 : i32
    %convert_element_type3A_41 = arith.extui %eq3A_40 : i1 to i32
    %cond3A_42 = arith.constant 0 : i32
    %cond3A_43 = arith.cmpi ne, %convert_element_type3A_41, %cond3A_42 : i32
    scf.if %cond3A_43 {
      %rem3A_127 = arith.constant 0 : i32
      %rem3A_128 = arith.constant 3 : i32
      %rem3A_129 = arith.remsi %rem3A_127, %rem3A_128 : i32
      %add3A_130 = arith.constant 0 : i32
      %add3A_131 = arith.addi %mul3A_2, %add3A_130 : i32
      %dma_start3A_132 = arith.constant 0 : i32
      %dma_start3A_133 = arith.constant 0 : i32
      %dma_start3A_134 = tpu.memref_slice %arg16[%rem3A_129, %dma_start3A_132, %dma_start3A_133] : memref<3x32x512xf32, #tpu.memory_space<vmem>> -> memref<1x32x512xf32, #tpu.memory_space<vmem>>
      %dma_start3A_135 = tpu.memref_squeeze %dma_start3A_134 : memref<1x32x512xf32, #tpu.memory_space<vmem>> -> memref<32x512xf32, #tpu.memory_space<vmem>>
      %dma_start3A_136 = arith.constant 0 : i32
      %dma_start3A_137 = tpu.memref_slice %arg2[%add3A_131, %dma_start3A_136] : memref<100000x512xf32, #tpu.memory_space<hbm>> -> memref<32x512xf32, #tpu.memory_space<hbm>>
      %dma_start3A_138 = tpu.memref_slice %arg17[%rem3A_129] : memref<3x!tpu.dma_semaphore, #tpu.memory_space<semaphore_mem>> -> memref<1x!tpu.dma_semaphore, #tpu.memory_space<semaphore_mem>>
      %dma_start3A_139 = tpu.memref_squeeze %dma_start3A_138 : memref<1x!tpu.dma_semaphore, #tpu.memory_space<semaphore_mem>> -> memref<!tpu.dma_semaphore, #tpu.memory_space<semaphore_mem>>
      %dma_start3A_140 = arith.constant 0 : i32
      %dma_start3A_141 = arith.constant 0 : i32
      %dma_start3A_142 = tpu.memref_slice %arg16[%rem3A_129, %dma_start3A_140, %dma_start3A_141] : memref<3x32x512xf32, #tpu.memory_space<vmem>> -> memref<1x32x512xf32, #tpu.memory_space<vmem>>
      %dma_start3A_143 = tpu.memref_squeeze %dma_start3A_142 : memref<1x32x512xf32, #tpu.memory_space<vmem>> -> memref<32x512xf32, #tpu.memory_space<vmem>>
      %dma_start3A_144 = arith.constant 0 : i32
      %dma_start3A_145 = tpu.memref_slice %arg2[%add3A_131, %dma_start3A_144] : memref<100000x512xf32, #tpu.memory_space<hbm>> -> memref<32x512xf32, #tpu.memory_space<hbm>>
      tpu.enqueue_dma source(%dma_start3A_145 : memref<32x512xf32, #tpu.memory_space<hbm>>) target(%dma_start3A_143 : memref<32x512xf32, #tpu.memory_space<vmem>>) target_semaphore(%dma_start3A_139 : memref<!tpu.dma_semaphore, #tpu.memory_space<semaphore_mem>>)
      %rem3A_146 = arith.constant 1 : i32
      %rem3A_147 = arith.constant 3 : i32
      %rem3A_148 = arith.remsi %rem3A_146, %rem3A_147 : i32
      %add3A_149 = arith.constant 32 : i32
      %add3A_150 = arith.addi %mul3A_2, %add3A_149 : i32
      %dma_start3A_151 = arith.constant 0 : i32
      %dma_start3A_152 = arith.constant 0 : i32
      %dma_start3A_153 = tpu.memref_slice %arg16[%rem3A_148, %dma_start3A_151, %dma_start3A_152] : memref<3x32x512xf32, #tpu.memory_space<vmem>> -> memref<1x32x512xf32, #tpu.memory_space<vmem>>
      %dma_start3A_154 = tpu.memref_squeeze %dma_start3A_153 : memref<1x32x512xf32, #tpu.memory_space<vmem>> -> memref<32x512xf32, #tpu.memory_space<vmem>>
      %dma_start3A_155 = arith.constant 0 : i32
      %dma_start3A_156 = tpu.memref_slice %arg2[%add3A_150, %dma_start3A_155] : memref<100000x512xf32, #tpu.memory_space<hbm>> -> memref<32x512xf32, #tpu.memory_space<hbm>>
      %dma_start3A_157 = tpu.memref_slice %arg17[%rem3A_148] : memref<3x!tpu.dma_semaphore, #tpu.memory_space<semaphore_mem>> -> memref<1x!tpu.dma_semaphore, #tpu.memory_space<semaphore_mem>>
      %dma_start3A_158 = tpu.memref_squeeze %dma_start3A_157 : memref<1x!tpu.dma_semaphore, #tpu.memory_space<semaphore_mem>> -> memref<!tpu.dma_semaphore, #tpu.memory_space<semaphore_mem>>
      %dma_start3A_159 = arith.constant 0 : i32
      %dma_start3A_160 = arith.constant 0 : i32
      %dma_start3A_161 = tpu.memref_slice %arg16[%rem3A_148, %dma_start3A_159, %dma_start3A_160] : memref<3x32x512xf32, #tpu.memory_space<vmem>> -> memref<1x32x512xf32, #tpu.memory_space<vmem>>
      %dma_start3A_162 = tpu.memref_squeeze %dma_start3A_161 : memref<1x32x512xf32, #tpu.memory_space<vmem>> -> memref<32x512xf32, #tpu.memory_space<vmem>>
      %dma_start3A_163 = arith.constant 0 : i32
      %dma_start3A_164 = tpu.memref_slice %arg2[%add3A_150, %dma_start3A_163] : memref<100000x512xf32, #tpu.memory_space<hbm>> -> memref<32x512xf32, #tpu.memory_space<hbm>>
      tpu.enqueue_dma source(%dma_start3A_164 : memref<32x512xf32, #tpu.memory_space<hbm>>) target(%dma_start3A_162 : memref<32x512xf32, #tpu.memory_space<vmem>>) target_semaphore(%dma_start3A_158 : memref<!tpu.dma_semaphore, #tpu.memory_space<semaphore_mem>>)
      %scan3A_165 = arith.constant 0 : i32
      %scan3A_166 = arith.constant 0 : i32
      %scan3A_167 = arith.constant 87 : i32
      %scan3A_168 = arith.addi %scan3A_166, %scan3A_167 : i32
      %scan3A_169 = arith.constant 1 : i32
      %scan3A_170 = scf.for %scan3A_191 = %scan3A_166 to %scan3A_168 step %scan3A_169 iter_args(%scan3A_192 = %scan3A_165) -> (i32)  : i32 {
        %rem3A_193 = arith.constant 3 : i32
        %rem3A_194 = arith.remsi %scan3A_191, %rem3A_193 : i32
        %mul3A_195 = arith.constant 32 : i32
        %mul3A_196 = arith.muli %scan3A_191, %mul3A_195 : i32
        %add3A_197 = arith.addi %mul3A_2, %mul3A_196 : i32
        %dma_wait3A_198 = arith.constant 0 : i32
        %dma_wait3A_199 = arith.constant 0 : i32
        %dma_wait3A_200 = tpu.memref_slice %arg16[%rem3A_194, %dma_wait3A_198, %dma_wait3A_199] : memref<3x32x512xf32, #tpu.memory_space<vmem>> -> memref<1x32x512xf32, #tpu.memory_space<vmem>>
        %dma_wait3A_201 = tpu.memref_squeeze %dma_wait3A_200 : memref<1x32x512xf32, #tpu.memory_space<vmem>> -> memref<32x512xf32, #tpu.memory_space<vmem>>
        %dma_wait3A_202 = arith.constant 0 : i32
        %dma_wait3A_203 = tpu.memref_slice %arg2[%add3A_197, %dma_wait3A_202] : memref<100000x512xf32, #tpu.memory_space<hbm>> -> memref<32x512xf32, #tpu.memory_space<hbm>>
        %dma_wait3A_204 = tpu.memref_slice %arg17[%rem3A_194] : memref<3x!tpu.dma_semaphore, #tpu.memory_space<semaphore_mem>> -> memref<1x!tpu.dma_semaphore, #tpu.memory_space<semaphore_mem>>
        %dma_wait3A_205 = tpu.memref_squeeze %dma_wait3A_204 : memref<1x!tpu.dma_semaphore, #tpu.memory_space<semaphore_mem>> -> memref<!tpu.dma_semaphore, #tpu.memory_space<semaphore_mem>>
        %dma_wait3A_206 = arith.constant 0 : i32
        %dma_wait3A_207 = arith.constant 0 : i32
        %dma_wait3A_208 = tpu.memref_slice %arg16[%rem3A_194, %dma_wait3A_206, %dma_wait3A_207] : memref<3x32x512xf32, #tpu.memory_space<vmem>> -> memref<1x32x512xf32, #tpu.memory_space<vmem>>
        %dma_wait3A_209 = tpu.memref_squeeze %dma_wait3A_208 : memref<1x32x512xf32, #tpu.memory_space<vmem>> -> memref<32x512xf32, #tpu.memory_space<vmem>>
        %dma_wait3A_210 = arith.constant 0 : i32
        %dma_wait3A_211 = tpu.memref_slice %arg2[%add3A_197, %dma_wait3A_210] : memref<100000x512xf32, #tpu.memory_space<hbm>> -> memref<32x512xf32, #tpu.memory_space<hbm>>
        tpu.wait_dma2 semaphore(%dma_wait3A_205 : memref<!tpu.dma_semaphore, #tpu.memory_space<semaphore_mem>>) src(%dma_wait3A_211 : memref<32x512xf32, #tpu.memory_space<hbm>>) dst(%dma_wait3A_209 : memref<32x512xf32, #tpu.memory_space<vmem>>)
        %rem3A_212 = arith.constant 3 : i32
        %rem3A_213 = arith.remsi %scan3A_191, %rem3A_212 : i32
        %mul3A_214 = arith.constant 32 : i32
        %mul3A_215 = arith.muli %scan3A_191, %mul3A_214 : i32
        %add3A_216 = arith.addi %mul3A_2, %mul3A_215 : i32
        %dma_start3A_217 = arith.constant 0 : i32
        %dma_start3A_218 = arith.constant 0 : i32
        %dma_start3A_219 = tpu.memref_slice %arg16[%rem3A_213, %dma_start3A_217, %dma_start3A_218] : memref<3x32x512xf32, #tpu.memory_space<vmem>> -> memref<1x32x512xf32, #tpu.memory_space<vmem>>
        %dma_start3A_220 = tpu.memref_squeeze %dma_start3A_219 : memref<1x32x512xf32, #tpu.memory_space<vmem>> -> memref<32x512xf32, #tpu.memory_space<vmem>>
        %dma_start3A_221 = arith.constant 0 : i32
        %dma_start3A_222 = tpu.memref_slice %arg7[%add3A_216, %dma_start3A_221] : memref<100000x512xf32, #tpu.memory_space<hbm>> -> memref<32x512xf32, #tpu.memory_space<hbm>>
        %dma_start3A_223 = tpu.memref_slice %arg18[%rem3A_213] : memref<3x!tpu.dma_semaphore, #tpu.memory_space<semaphore_mem>> -> memref<1x!tpu.dma_semaphore, #tpu.memory_space<semaphore_mem>>
        %dma_start3A_224 = tpu.memref_squeeze %dma_start3A_223 : memref<1x!tpu.dma_semaphore, #tpu.memory_space<semaphore_mem>> -> memref<!tpu.dma_semaphore, #tpu.memory_space<semaphore_mem>>
        %dma_start3A_225 = arith.constant 0 : i32
        %dma_start3A_226 = tpu.memref_slice %arg7[%add3A_216, %dma_start3A_225] : memref<100000x512xf32, #tpu.memory_space<hbm>> -> memref<32x512xf32, #tpu.memory_space<hbm>>
        %dma_start3A_227 = arith.constant 0 : i32
        %dma_start3A_228 = arith.constant 0 : i32
        %dma_start3A_229 = tpu.memref_slice %arg16[%rem3A_213, %dma_start3A_227, %dma_start3A_228] : memref<3x32x512xf32, #tpu.memory_space<vmem>> -> memref<1x32x512xf32, #tpu.memory_space<vmem>>
        %dma_start3A_230 = tpu.memref_squeeze %dma_start3A_229 : memref<1x32x512xf32, #tpu.memory_space<vmem>> -> memref<32x512xf32, #tpu.memory_space<vmem>>
        tpu.enqueue_dma source(%dma_start3A_230 : memref<32x512xf32, #tpu.memory_space<vmem>>) target(%dma_start3A_226 : memref<32x512xf32, #tpu.memory_space<hbm>>) target_semaphore(%dma_start3A_224 : memref<!tpu.dma_semaphore, #tpu.memory_space<semaphore_mem>>)
        %mul3A_231 = arith.constant 12 : i32
        %mul3A_232 = arith.muli %scan3A_191, %mul3A_231 : i32
        %add3A_233 = arith.constant 1 : i32
        %add3A_234 = arith.addi %scan3A_191, %add3A_233 : i32
        %mul3A_235 = arith.constant 12 : i32
        %mul3A_236 = arith.muli %add3A_234, %mul3A_235 : i32
        %min3A_237 = arith.constant 1024 : i32
        %min3A_238 = arith.minsi %mul3A_236, %min3A_237 : i32
        %while3A_239 = arith.constant 0 : i32
        %while3A_240 = arith.subi %min3A_238, %mul3A_232 : i32
        %while3A_241 = arith.addi %mul3A_232, %while3A_240 : i32
        %while3A_242 = arith.constant 1 : i32
        %while3A_243 = arith.divsi %while3A_240, %while3A_242 : i32
        %while3A_244 = arith.muli %while3A_243, %while3A_242 : i32
        %while3A_245 = arith.addi %mul3A_232, %while3A_244 : i32
        %while3A_246 = arith.constant 1 : i32
        %while3A_247 = scf.for %while3A_264 = %mul3A_232 to %while3A_245 step %while3A_246 iter_args(%while3A_265 = %while3A_239) -> (i32)  : i32 {
          %mul3A_266 = arith.constant 16 : i32
          %mul3A_267 = arith.muli %while3A_264, %mul3A_266 : i32
          %get3A_268 = arith.index_cast %mul3A_267 : i32 to index
          %get3A_269 = tpu.vector_load %arg9[%get3A_268] {strides = array<i32>} : memref<16384xi32, #tpu.memory_space<vmem>>, vector<16xi32>,
          %mul3A_270 = arith.constant 16 : i32
          %mul3A_271 = arith.muli %while3A_264, %mul3A_270 : i32
          %add3A_272 = vector.broadcast %mul3A_271 : i32 to vector<16xi32>
          %add3A_273 = arith.addi %add3A_272, %iota3A : vector<16xi32>
          %ge3A_274 = vector.broadcast %mul3A_2 : i32 to vector<16xi32>
          %ge3A_275 = arith.cmpi sge, %get3A_269, %ge3A_274 : vector<16xi32>
          %lt3A_276 = vector.broadcast %min3A_5 : i32 to vector<16xi32>
          %lt3A_277 = arith.cmpi slt, %get3A_269, %lt3A_276 : vector<16xi32>
          %and3A_278 = arith.andi %ge3A_275, %lt3A_277 : vector<16xi1>
          %mul3A_279 = arith.constant 16384 : i32
          %mul3A_280 = vector.broadcast %mul3A_279 : i32 to vector<16xi32>
          %mul3A_281 = arith.muli %get3A_269, %mul3A_280 : vector<16xi32>
          %add3A_282 = arith.addi %mul3A_281, %add3A_273 : vector<16xi32>
          %jit3A_283 = arith.constant 2147483647 : i32
          %broadcast_in_dim3A_284 = vector.broadcast %jit3A_283 : i32 to vector<16xi32>
          %select_n3A_285 = arith.select %and3A_278, %add3A_282, %broadcast_in_dim3A_284 : vector<16xi1>, vector<16xi32>
          %masked_sort3A = arith.constant dense<true> : vector<16xi1>
          %masked_sort3A_286 = arith.constant -2147483648 : i32
          %masked_sort3A_287 = vector.broadcast %masked_sort3A_286 : i32 to vector<16xi32>
          %masked_sort3A_288 = arith.xori %select_n3A_285, %masked_sort3A_287 : vector<16xi32>
          %masked_sort3A_289, %masked_sort3A_290, %masked_sort3A_291 = tpu.sort %masked_sort3A_288, %select_n3A_285 masked %masked_sort3A : (vector<16xi32>, vector<16xi32>, vector<16xi1>) -> (vector<16xi1>, vector<16xi32>, vector<16xi32>)
          %masked_sort3A_292 = arith.xori %masked_sort3A_290, %masked_sort3A_287 : vector<16xi32>
          %shift_right_arithmetic3A = arith.constant 14 : i32
          %shift_right_arithmetic3A_293 = vector.broadcast %shift_right_arithmetic3A : i32 to vector<16xi32>
          %shift_right_arithmetic3A_294 = arith.shrsi %masked_sort3A_292, %shift_right_arithmetic3A_293 : vector<16xi32>
          %and3A_295 = arith.constant 16383 : i32
          %and3A_296 = vector.broadcast %and3A_295 : i32 to vector<16xi32>
          %and3A_297 = arith.andi %masked_sort3A_292, %and3A_296 : vector<16xi32>
          %broadcast_in_dim3A_298 = vector.shape_cast %min3A_33 : vector<16xi32> to vector<16x1xi32>
          %gather3A_299 = vector.shape_cast %broadcast_in_dim3A_298 : vector<16x1xi32> to vector<16xi32>
          %gather3A_300 = tpu.dynamic_gather %shift_right_arithmetic3A_294[%gather3A_299] in [0] : vector<16xi32>, vector<16xi32> -> vector<16xi32>
          %lt3A_301 = vector.broadcast %min3A_5 : i32 to vector<16xi32>
          %lt3A_302 = arith.cmpi slt, %shift_right_arithmetic3A_294, %lt3A_301 : vector<16xi32>
          %eq3A_303 = arith.constant 15 : i32
          %eq3A_304 = vector.broadcast %eq3A_303 : i32 to vector<16xi32>
          %eq3A_305 = arith.cmpi eq, %iota3A, %eq3A_304 : vector<16xi32>
          %ne3A_306 = arith.cmpi ne, %shift_right_arithmetic3A_294, %gather3A_300 : vector<16xi32>
          %or3A = arith.ori %eq3A_305, %ne3A_306 : vector<16xi1>
          %and3A_307 = arith.andi %lt3A_302, %or3A : vector<16xi1>
          %sub3A_308 = vector.broadcast %mul3A_2 : i32 to vector<16xi32>
          %sub3A_309 = arith.subi %shift_right_arithmetic3A_294, %sub3A_308 : vector<16xi32>
          %jit3A_310 = arith.constant 0 : i32
          %broadcast_in_dim3A_311 = vector.broadcast %jit3A_310 : i32 to vector<16xi32>
          %select_n3A_312 = arith.select %and3A_307, %sub3A_309, %broadcast_in_dim3A_311 : vector<16xi1>, vector<16xi32>
          tpu.vector_store_idx %arg11[%select_n3A_312], %and3A_297 masked %and3A_307 : memref<3136xi32, #tpu.memory_space<vmem>>[vector<16xi32>], vector<16xi32>, vector<16xi1>
          %while3A_313 = arith.constant 0 : i32
          scf.yield %while3A_313 : i32
        }
        %while3A_248 = arith.constant 1 : i32
        %while3A_249 = scf.for %while3A_264 = %while3A_245 to %while3A_241 step %while3A_248 iter_args(%while3A_265 = %while3A_247) -> (i32)  : i32 {
          %mul3A_266 = arith.constant 16 : i32
          %mul3A_267 = arith.muli %while3A_264, %mul3A_266 : i32
          %get3A_268 = arith.index_cast %mul3A_267 : i32 to index
          %get3A_269 = tpu.vector_load %arg9[%get3A_268] {strides = array<i32>} : memref<16384xi32, #tpu.memory_space<vmem>>, vector<16xi32>,
          %mul3A_270 = arith.constant 16 : i32
          %mul3A_271 = arith.muli %while3A_264, %mul3A_270 : i32
          %add3A_272 = vector.broadcast %mul3A_271 : i32 to vector<16xi32>
          %add3A_273 = arith.addi %add3A_272, %iota3A : vector<16xi32>
          %ge3A_274 = vector.broadcast %mul3A_2 : i32 to vector<16xi32>
          %ge3A_275 = arith.cmpi sge, %get3A_269, %ge3A_274 : vector<16xi32>
          %lt3A_276 = vector.broadcast %min3A_5 : i32 to vector<16xi32>
          %lt3A_277 = arith.cmpi slt, %get3A_269, %lt3A_276 : vector<16xi32>
          %and3A_278 = arith.andi %ge3A_275, %lt3A_277 : vector<16xi1>
          %mul3A_279 = arith.constant 16384 : i32
          %mul3A_280 = vector.broadcast %mul3A_279 : i32 to vector<16xi32>
          %mul3A_281 = arith.muli %get3A_269, %mul3A_280 : vector<16xi32>
          %add3A_282 = arith.addi %mul3A_281, %add3A_273 : vector<16xi32>
          %jit3A_283 = arith.constant 2147483647 : i32
          %broadcast_in_dim3A_284 = vector.broadcast %jit3A_283 : i32 to vector<16xi32>
          %select_n3A_285 = arith.select %and3A_278, %add3A_282, %broadcast_in_dim3A_284 : vector<16xi1>, vector<16xi32>
          %masked_sort3A = arith.constant dense<true> : vector<16xi1>
          %masked_sort3A_286 = arith.constant -2147483648 : i32
          %masked_sort3A_287 = vector.broadcast %masked_sort3A_286 : i32 to vector<16xi32>
          %masked_sort3A_288 = arith.xori %select_n3A_285, %masked_sort3A_287 : vector<16xi32>
          %masked_sort3A_289, %masked_sort3A_290, %masked_sort3A_291 = tpu.sort %masked_sort3A_288, %select_n3A_285 masked %masked_sort3A : (vector<16xi32>, vector<16xi32>, vector<16xi1>) -> (vector<16xi1>, vector<16xi32>, vector<16xi32>)
          %masked_sort3A_292 = arith.xori %masked_sort3A_290, %masked_sort3A_287 : vector<16xi32>
          %shift_right_arithmetic3A = arith.constant 14 : i32
          %shift_right_arithmetic3A_293 = vector.broadcast %shift_right_arithmetic3A : i32 to vector<16xi32>
          %shift_right_arithmetic3A_294 = arith.shrsi %masked_sort3A_292, %shift_right_arithmetic3A_293 : vector<16xi32>
          %and3A_295 = arith.constant 16383 : i32
          %and3A_296 = vector.broadcast %and3A_295 : i32 to vector<16xi32>
          %and3A_297 = arith.andi %masked_sort3A_292, %and3A_296 : vector<16xi32>
          %broadcast_in_dim3A_298 = vector.shape_cast %min3A_33 : vector<16xi32> to vector<16x1xi32>
          %gather3A_299 = vector.shape_cast %broadcast_in_dim3A_298 : vector<16x1xi32> to vector<16xi32>
          %gather3A_300 = tpu.dynamic_gather %shift_right_arithmetic3A_294[%gather3A_299] in [0] : vector<16xi32>, vector<16xi32> -> vector<16xi32>
          %lt3A_301 = vector.broadcast %min3A_5 : i32 to vector<16xi32>
          %lt3A_302 = arith.cmpi slt, %shift_right_arithmetic3A_294, %lt3A_301 : vector<16xi32>
          %eq3A_303 = arith.constant 15 : i32
          %eq3A_304 = vector.broadcast %eq3A_303 : i32 to vector<16xi32>
          %eq3A_305 = arith.cmpi eq, %iota3A, %eq3A_304 : vector<16xi32>
          %ne3A_306 = arith.cmpi ne, %shift_right_arithmetic3A_294, %gather3A_300 : vector<16xi32>
          %or3A = arith.ori %eq3A_305, %ne3A_306 : vector<16xi1>
          %and3A_307 = arith.andi %lt3A_302, %or3A : vector<16xi1>
          %sub3A_308 = vector.broadcast %mul3A_2 : i32 to vector<16xi32>
          %sub3A_309 = arith.subi %shift_right_arithmetic3A_294, %sub3A_308 : vector<16xi32>
          %jit3A_310 = arith.constant 0 : i32
          %broadcast_in_dim3A_311 = vector.broadcast %jit3A_310 : i32 to vector<16xi32>
          %select_n3A_312 = arith.select %and3A_307, %sub3A_309, %broadcast_in_dim3A_311 : vector<16xi1>, vector<16xi32>
          tpu.vector_store_idx %arg11[%select_n3A_312], %and3A_297 masked %and3A_307 : memref<3136xi32, #tpu.memory_space<vmem>>[vector<16xi32>], vector<16xi32>, vector<16xi1>
          %while3A_313 = arith.constant 0 : i32
          scf.yield %while3A_313 : i32
        }
        %ge3A = arith.constant 1 : i32
        %ge3A_250 = arith.cmpi sge, %scan3A_191, %ge3A : i32
        %convert_element_type3A_251 = arith.extui %ge3A_250 : i1 to i32
        %cond3A_252 = arith.constant 0 : i32
        %cond3A_253 = arith.cmpi ne, %convert_element_type3A_251, %cond3A_252 : i32
        scf.if %cond3A_253 {
          %sub3A_264 = arith.constant 1 : i32
          %sub3A_265 = arith.subi %scan3A_191, %sub3A_264 : i32
          %rem3A_266 = arith.constant 3 : i32
          %rem3A_267 = arith.remsi %sub3A_265, %rem3A_266 : i32
          %mul3A_268 = arith.constant 32 : i32
          %mul3A_269 = arith.muli %sub3A_265, %mul3A_268 : i32
          %add3A_270 = arith.addi %mul3A_2, %mul3A_269 : i32
          %dma_wait3A_271 = arith.constant 0 : i32
          %dma_wait3A_272 = arith.constant 0 : i32
          %dma_wait3A_273 = tpu.memref_slice %arg16[%rem3A_267, %dma_wait3A_271, %dma_wait3A_272] : memref<3x32x512xf32, #tpu.memory_space<vmem>> -> memref<1x32x512xf32, #tpu.memory_space<vmem>>
          %dma_wait3A_274 = tpu.memref_squeeze %dma_wait3A_273 : memref<1x32x512xf32, #tpu.memory_space<vmem>> -> memref<32x512xf32, #tpu.memory_space<vmem>>
          %dma_wait3A_275 = arith.constant 0 : i32
          %dma_wait3A_276 = tpu.memref_slice %arg7[%add3A_270, %dma_wait3A_275] : memref<100000x512xf32, #tpu.memory_space<hbm>> -> memref<32x512xf32, #tpu.memory_space<hbm>>
          %dma_wait3A_277 = tpu.memref_slice %arg18[%rem3A_267] : memref<3x!tpu.dma_semaphore, #tpu.memory_space<semaphore_mem>> -> memref<1x!tpu.dma_semaphore, #tpu.memory_space<semaphore_mem>>
          %dma_wait3A_278 = tpu.memref_squeeze %dma_wait3A_277 : memref<1x!tpu.dma_semaphore, #tpu.memory_space<semaphore_mem>> -> memref<!tpu.dma_semaphore, #tpu.memory_space<semaphore_mem>>
          %dma_wait3A_279 = arith.constant 0 : i32
          %dma_wait3A_280 = tpu.memref_slice %arg7[%add3A_270, %dma_wait3A_279] : memref<100000x512xf32, #tpu.memory_space<hbm>> -> memref<32x512xf32, #tpu.memory_space<hbm>>
          %dma_wait3A_281 = arith.constant 0 : i32
          %dma_wait3A_282 = arith.constant 0 : i32
          %dma_wait3A_283 = tpu.memref_slice %arg16[%rem3A_267, %dma_wait3A_281, %dma_wait3A_282] : memref<3x32x512xf32, #tpu.memory_space<vmem>> -> memref<1x32x512xf32, #tpu.memory_space<vmem>>
          %dma_wait3A_284 = tpu.memref_squeeze %dma_wait3A_283 : memref<1x32x512xf32, #tpu.memory_space<vmem>> -> memref<32x512xf32, #tpu.memory_space<vmem>>
          tpu.wait_dma2 semaphore(%dma_wait3A_278 : memref<!tpu.dma_semaphore, #tpu.memory_space<semaphore_mem>>) src(%dma_wait3A_284 : memref<32x512xf32, #tpu.memory_space<vmem>>) dst(%dma_wait3A_280 : memref<32x512xf32, #tpu.memory_space<hbm>>)
        } else {
        }
        %add3A_254 = arith.constant 3 : i32
        %add3A_255 = arith.addi %scan3A_191, %add3A_254 : i32
        %sub3A_256 = arith.constant 1 : i32
        %sub3A_257 = arith.subi %add3A_255, %sub3A_256 : i32
        %lt3A_258 = arith.constant 87 : i32
        %lt3A_259 = arith.cmpi slt, %sub3A_257, %lt3A_258 : i32
        %convert_element_type3A_260 = arith.extui %lt3A_259 : i1 to i32
        %cond3A_261 = arith.constant 0 : i32
        %cond3A_262 = arith.cmpi ne, %convert_element_type3A_260, %cond3A_261 : i32
        scf.if %cond3A_262 {
          %add3A_264 = arith.constant 3 : i32
          %add3A_265 = arith.addi %scan3A_191, %add3A_264 : i32
          %sub3A_266 = arith.constant 1 : i32
          %sub3A_267 = arith.subi %add3A_265, %sub3A_266 : i32
          %rem3A_268 = arith.constant 3 : i32
          %rem3A_269 = arith.remsi %sub3A_267, %rem3A_268 : i32
          %mul3A_270 = arith.constant 32 : i32
          %mul3A_271 = arith.muli %sub3A_267, %mul3A_270 : i32
          %add3A_272 = arith.addi %mul3A_2, %mul3A_271 : i32
          %dma_start3A_273 = arith.constant 0 : i32
          %dma_start3A_274 = arith.constant 0 : i32
          %dma_start3A_275 = tpu.memref_slice %arg16[%rem3A_269, %dma_start3A_273, %dma_start3A_274] : memref<3x32x512xf32, #tpu.memory_space<vmem>> -> memref<1x32x512xf32, #tpu.memory_space<vmem>>
          %dma_start3A_276 = tpu.memref_squeeze %dma_start3A_275 : memref<1x32x512xf32, #tpu.memory_space<vmem>> -> memref<32x512xf32, #tpu.memory_space<vmem>>
          %dma_start3A_277 = arith.constant 0 : i32
          %dma_start3A_278 = tpu.memref_slice %arg2[%add3A_272, %dma_start3A_277] : memref<100000x512xf32, #tpu.memory_space<hbm>> -> memref<32x512xf32, #tpu.memory_space<hbm>>
          %dma_start3A_279 = tpu.memref_slice %arg17[%rem3A_269] : memref<3x!tpu.dma_semaphore, #tpu.memory_space<semaphore_mem>> -> memref<1x!tpu.dma_semaphore, #tpu.memory_space<semaphore_mem>>
          %dma_start3A_280 = tpu.memref_squeeze %dma_start3A_279 : memref<1x!tpu.dma_semaphore, #tpu.memory_space<semaphore_mem>> -> memref<!tpu.dma_semaphore, #tpu.memory_space<semaphore_mem>>
          %dma_start3A_281 = arith.constant 0 : i32
          %dma_start3A_282 = arith.constant 0 : i32
          %dma_start3A_283 = tpu.memref_slice %arg16[%rem3A_269, %dma_start3A_281, %dma_start3A_282] : memref<3x32x512xf32, #tpu.memory_space<vmem>> -> memref<1x32x512xf32, #tpu.memory_space<vmem>>
          %dma_start3A_284 = tpu.memref_squeeze %dma_start3A_283 : memref<1x32x512xf32, #tpu.memory_space<vmem>> -> memref<32x512xf32, #tpu.memory_space<vmem>>
          %dma_start3A_285 = arith.constant 0 : i32
          %dma_start3A_286 = tpu.memref_slice %arg2[%add3A_272, %dma_start3A_285] : memref<100000x512xf32, #tpu.memory_space<hbm>> -> memref<32x512xf32, #tpu.memory_space<hbm>>
          tpu.enqueue_dma source(%dma_start3A_286 : memref<32x512xf32, #tpu.memory_space<hbm>>) target(%dma_start3A_284 : memref<32x512xf32, #tpu.memory_space<vmem>>) target_semaphore(%dma_start3A_280 : memref<!tpu.dma_semaphore, #tpu.memory_space<semaphore_mem>>)
        } else {
        }
        %scan3A_263 = arith.constant 0 : i32
        scf.yield %scan3A_263 : i32
      }
      %scan3A_171 = arith.constant 87 : i32
      %rem3A_172 = arith.constant 86 : i32
      %rem3A_173 = arith.constant 3 : i32
      %rem3A_174 = arith.remsi %rem3A_172, %rem3A_173 : i32
      %add3A_175 = arith.constant 2752 : i32
      %add3A_176 = arith.addi %mul3A_2, %add3A_175 : i32
      %dma_wait3A_177 = arith.constant 0 : i32
      %dma_wait3A_178 = arith.constant 0 : i32
      %dma_wait3A_179 = tpu.memref_slice %arg16[%rem3A_174, %dma_wait3A_177, %dma_wait3A_178] : memref<3x32x512xf32, #tpu.memory_space<vmem>> -> memref<1x32x512xf32, #tpu.memory_space<vmem>>
      %dma_wait3A_180 = tpu.memref_squeeze %dma_wait3A_179 : memref<1x32x512xf32, #tpu.memory_space<vmem>> -> memref<32x512xf32, #tpu.memory_space<vmem>>
      %dma_wait3A_181 = arith.constant 0 : i32
      %dma_wait3A_182 = tpu.memref_slice %arg7[%add3A_176, %dma_wait3A_181] : memref<100000x512xf32, #tpu.memory_space<hbm>> -> memref<32x512xf32, #tpu.memory_space<hbm>>
      %dma_wait3A_183 = tpu.memref_slice %arg18[%rem3A_174] : memref<3x!tpu.dma_semaphore, #tpu.memory_space<semaphore_mem>> -> memref<1x!tpu.dma_semaphore, #tpu.memory_space<semaphore_mem>>
      %dma_wait3A_184 = tpu.memref_squeeze %dma_wait3A_183 : memref<1x!tpu.dma_semaphore, #tpu.memory_space<semaphore_mem>> -> memref<!tpu.dma_semaphore, #tpu.memory_space<semaphore_mem>>
      %dma_wait3A_185 = arith.constant 0 : i32
      %dma_wait3A_186 = tpu.memref_slice %arg7[%add3A_176, %dma_wait3A_185] : memref<100000x512xf32, #tpu.memory_space<hbm>> -> memref<32x512xf32, #tpu.memory_space<hbm>>
      %dma_wait3A_187 = arith.constant 0 : i32
      %dma_wait3A_188 = arith.constant 0 : i32
      %dma_wait3A_189 = tpu.memref_slice %arg16[%rem3A_174, %dma_wait3A_187, %dma_wait3A_188] : memref<3x32x512xf32, #tpu.memory_space<vmem>> -> memref<1x32x512xf32, #tpu.memory_space<vmem>>
      %dma_wait3A_190 = tpu.memref_squeeze %dma_wait3A_189 : memref<1x32x512xf32, #tpu.memory_space<vmem>> -> memref<32x512xf32, #tpu.memory_space<vmem>>
      tpu.wait_dma2 semaphore(%dma_wait3A_184 : memref<!tpu.dma_semaphore, #tpu.memory_space<semaphore_mem>>) src(%dma_wait3A_190 : memref<32x512xf32, #tpu.memory_space<vmem>>) dst(%dma_wait3A_186 : memref<32x512xf32, #tpu.memory_space<hbm>>)
    } else {
    }
    %scan3A_44 = arith.constant 0 : i32
    %scan3A_45 = arith.constant 0 : i32
    %scan3A_46 = arith.constant 196 : i32
    %scan3A_47 = arith.addi %scan3A_45, %scan3A_46 : i32
    %scan3A_48 = arith.constant 1 : i32
    %scan3A_49 = scf.for %scan3A_127 = %scan3A_45 to %scan3A_47 step %scan3A_48 iter_args(%scan3A_128 = %scan3A_44) -> (i32)  : i32 {
      %mul3A_129 = arith.constant 16 : i32
      %mul3A_130 = arith.muli %scan3A_127, %mul3A_129 : i32
      %get3A_131 = arith.index_cast %mul3A_130 : i32 to index
      %get3A_132 = tpu.vector_load %arg11[%get3A_131] {strides = array<i32>} : memref<3136xi32, #tpu.memory_space<vmem>>, vector<16xi32>,
      %ge3A = arith.constant 0 : i32
      %ge3A_133 = vector.broadcast %ge3A : i32 to vector<16xi32>
      %ge3A_134 = arith.cmpi sge, %get3A_132, %ge3A_133 : vector<16xi32>
      %convert_element_type3A_135 = arith.extui %ge3A_134 : vector<16xi1> to vector<16xi32>
      %jit3A_136 = arith.constant 0 : i32
      %broadcast_in_dim3A_137 = vector.broadcast %jit3A_136 : i32 to vector<16xi32>
      %select_n3A_138 = arith.select %ge3A_134, %get3A_132, %broadcast_in_dim3A_137 : vector<16xi1>, vector<16xi32>
      %gather3A_139 = tpu.vector_load_idx %arg10[%select_n3A_138] masked %ge3A_134 : memref<16384xi32, #tpu.memory_space<vmem>>[vector<16xi32>], vector<16xi32>, vector<16xi1>
      %mul3A_140 = arith.constant 16 : i32
      %mul3A_141 = arith.muli %scan3A_127, %mul3A_140 : i32
      %get3A_142 = arith.index_cast %mul3A_141 : i32 to index
      %get3A_143 = tpu.vector_load %arg12[%get3A_142] {strides = array<i32>} : memref<3136xi32, #tpu.memory_space<vmem>>, vector<16xi32>,
      %select_n3A_144 = arith.select %ge3A_134, %gather3A_139, %get3A_143 : vector<16xi1>, vector<16xi32>
      %mul3A_145 = arith.constant 16 : i32
      %mul3A_146 = arith.muli %scan3A_127, %mul3A_145 : i32
      %swap3A = arith.index_cast %mul3A_146 : i32 to index
      %swap3A_147 = tpu.vector_load %arg12[%swap3A] {strides = array<i32>} : memref<3136xi32, #tpu.memory_space<vmem>>, vector<16xi32>,
      tpu.vector_store %arg12[%swap3A], %select_n3A_144 {strides = array<i32>} : memref<3136xi32, #tpu.memory_space<vmem>>, vector<16xi32>,
      %broadcast_in_dim3A_148 = arith.constant true
      %broadcast_in_dim3A_149 = vector.broadcast %broadcast_in_dim3A_148 : i1 to vector<16xi1>
      %masked_cumsum3A = tpu.scan <sum>, %convert_element_type3A_135 masked %broadcast_in_dim3A_149 : vector<16xi32>, vector<16xi1> -> vector<16xi32>
      %add3A_150 = vector.broadcast %scan3A_128 : i32 to vector<16xi32>
      %add3A_151 = arith.addi %add3A_150, %masked_cumsum3A : vector<16xi32>
      %sub3A_152 = arith.constant 1 : i32
      %sub3A_153 = vector.broadcast %sub3A_152 : i32 to vector<16xi32>
      %sub3A_154 = arith.subi %add3A_151, %sub3A_153 : vector<16xi32>
      %jit3A_155 = arith.constant 0 : i32
      %broadcast_in_dim3A_156 = vector.broadcast %jit3A_155 : i32 to vector<16xi32>
      %select_n3A_157 = arith.select %ge3A_134, %sub3A_154, %broadcast_in_dim3A_156 : vector<16xi1>, vector<16xi32>
      tpu.vector_store_idx %arg14[%select_n3A_157], %get3A_132 masked %ge3A_134 : memref<3200xi32, #tpu.memory_space<vmem>>[vector<16xi32>], vector<16xi32>, vector<16xi1>
      %mul3A_158 = arith.constant 16 : i32
      %mul3A_159 = arith.muli %scan3A_127, %mul3A_158 : i32
      %add3A_160 = arith.addi %mul3A_2, %mul3A_159 : i32
      %add3A_161 = vector.broadcast %add3A_160 : i32 to vector<16xi32>
      %add3A_162 = arith.addi %add3A_161, %iota3A : vector<16xi32>
      tpu.vector_store_idx %arg13[%select_n3A_157], %add3A_162 masked %ge3A_134 : memref<3200xi32, #tpu.memory_space<vmem>>[vector<16xi32>], vector<16xi32>, vector<16xi1>
      %reduce_sum3A = arith.constant true
      %reduce_sum3A_163 = vector.broadcast %reduce_sum3A : i1 to vector<16xi1>
      %reduce_sum3A_164 = tpu.scan <sum>, %convert_element_type3A_135 masked %reduce_sum3A_163 : vector<16xi32>, vector<16xi1> -> vector<16xi32>
      %reduce_sum3A_165 = vector.extract %reduce_sum3A_164[15] : i32 from vector<16xi32>
      %add3A_166 = arith.addi %scan3A_128, %reduce_sum3A_165 : i32
      scf.yield %add3A_166 : i32
    }
    %scan3A_50 = arith.constant 196 : i32
    %broadcast_in_dim3A = arith.constant 0 : i32
    %broadcast_in_dim3A_51 = vector.broadcast %broadcast_in_dim3A : i32 to vector<16xi32>
    %get3A = arith.constant 0 : index
    %get3A_52 = tpu.vector_load %arg14[%get3A] {strides = array<i32>} : memref<3200xi32, #tpu.memory_space<vmem>>, vector<16xi32>,
    %broadcast_in_dim3A_53 = vector.shape_cast %broadcast_in_dim3A_51 : vector<16xi32> to vector<16x1xi32>
    %gather3A = vector.shape_cast %broadcast_in_dim3A_53 : vector<16x1xi32> to vector<16xi32>
    %gather3A_54 = tpu.dynamic_gather %get3A_52[%gather3A] in [0] : vector<16xi32>, vector<16xi32> -> vector<16xi32>
    %get3A_55 = arith.constant 0 : index
    %get3A_56 = tpu.vector_load %arg13[%get3A_55] {strides = array<i32>} : memref<3200xi32, #tpu.memory_space<vmem>>, vector<16xi32>,
    %broadcast_in_dim3A_57 = vector.shape_cast %broadcast_in_dim3A_51 : vector<16xi32> to vector<16x1xi32>
    %gather3A_58 = vector.shape_cast %broadcast_in_dim3A_57 : vector<16x1xi32> to vector<16xi32>
    %gather3A_59 = tpu.dynamic_gather %get3A_56[%gather3A_58] in [0] : vector<16xi32>, vector<16xi32> -> vector<16xi32>
    %add3A_60 = vector.broadcast %scan3A_49 : i32 to vector<16xi32>
    %add3A_61 = arith.addi %add3A_60, %iota3A : vector<16xi32>
    tpu.vector_store_idx %arg14[%add3A_61], %gather3A_54 : memref<3200xi32, #tpu.memory_space<vmem>>[vector<16xi32>], vector<16xi32>,
    %add3A_62 = vector.broadcast %scan3A_49 : i32 to vector<16xi32>
    %add3A_63 = arith.addi %add3A_62, %iota3A : vector<16xi32>
    tpu.vector_store_idx %arg13[%add3A_63], %gather3A_59 : memref<3200xi32, #tpu.memory_space<vmem>>[vector<16xi32>], vector<16xi32>,
    %add3A_64 = arith.constant 15 : i32
    %add3A_65 = arith.addi %scan3A_49, %add3A_64 : i32
    %jit3A = arith.constant 16 : i32
    %div3A = arith.divsi %add3A_65, %jit3A : i32
    %sign3A = arith.constant 0 : i32
    %sign3A_66 = arith.cmpi sgt, %add3A_65, %sign3A : i32
    %sign3A_67 = arith.extui %sign3A_66 : i1 to i32
    %sign3A_68 = arith.constant 0 : i32
    %sign3A_69 = arith.cmpi slt, %add3A_65, %sign3A_68 : i32
    %sign3A_70 = arith.extui %sign3A_69 : i1 to i32
    %sign3A_71 = arith.subi %sign3A_67, %sign3A_70 : i32
    %sign3A_72 = arith.constant 0 : i32
    %sign3A_73 = arith.cmpi sgt, %jit3A, %sign3A_72 : i32
    %sign3A_74 = arith.extui %sign3A_73 : i1 to i32
    %sign3A_75 = arith.constant 0 : i32
    %sign3A_76 = arith.cmpi slt, %jit3A, %sign3A_75 : i32
    %sign3A_77 = arith.extui %sign3A_76 : i1 to i32
    %sign3A_78 = arith.subi %sign3A_74, %sign3A_77 : i32
    %ne3A = arith.cmpi ne, %sign3A_71, %sign3A_78 : i32
    %rem3A = arith.remsi %add3A_65, %jit3A : i32
    %ne3A_79 = arith.constant 0 : i32
    %ne3A_80 = arith.cmpi ne, %rem3A, %ne3A_79 : i32
    %and3A = arith.andi %ne3A, %ne3A_80 : i1
    %sub3A = arith.constant 1 : i32
    %sub3A_81 = arith.subi %div3A, %sub3A : i32
    %select_n3A = arith.select %and3A, %sub3A_81, %div3A : i32
    %gt3A = arith.constant 0 : i32
    %gt3A_82 = arith.cmpi sgt, %select_n3A, %gt3A : i32
    %convert_element_type3A_83 = arith.extui %gt3A_82 : i1 to i32
    %cond3A_84 = arith.constant 0 : i32
    %cond3A_85 = arith.cmpi ne, %convert_element_type3A_83, %cond3A_84 : i32
    scf.if %cond3A_85 {
      %get3A_127 = arith.constant 0 : index
      %get3A_128 = tpu.vector_load %arg14[%get3A_127] {strides = array<i32>} : memref<3200xi32, #tpu.memory_space<vmem>>, vector<16xi32>,
      %rem3A_129 = arith.constant 0 : i32
      %rem3A_130 = arith.constant 4 : i32
      %rem3A_131 = arith.remsi %rem3A_129, %rem3A_130 : i32
      %rem3A_132 = arith.constant 0 : i32
      %rem3A_133 = arith.constant 4 : i32
      %rem3A_134 = arith.remsi %rem3A_132, %rem3A_133 : i32
      %dma_start3A_135 = arith.constant 0 : i32
      %dma_start3A_136 = arith.constant 0 : i32
      %dma_start3A_137 = tpu.memref_slice %arg15[%rem3A_131, %dma_start3A_135, %dma_start3A_136] : memref<4x16x512xf32, #tpu.memory_space<vmem>> -> memref<1x16x512xf32, #tpu.memory_space<vmem>>
      %dma_start3A_138 = tpu.memref_squeeze %dma_start3A_137 : memref<1x16x512xf32, #tpu.memory_space<vmem>> -> memref<16x512xf32, #tpu.memory_space<vmem>>
      %dma_start3A_139 = arith.constant 0 : i32
      %dma_start3A_140 = arith.constant 0 : i32
      %dma_start3A_141 = tpu.memref_slice %arg3[%dma_start3A_139, %dma_start3A_140] : memref<16384x512xf32, #tpu.memory_space<hbm>> -> memref<16384x512xf32, #tpu.memory_space<hbm>>
      %dma_start3A_142 = tpu.memref_slice %arg19[%rem3A_134] : memref<4x!tpu.dma_semaphore, #tpu.memory_space<semaphore_mem>> -> memref<1x!tpu.dma_semaphore, #tpu.memory_space<semaphore_mem>>
      %dma_start3A_143 = tpu.memref_squeeze %dma_start3A_142 : memref<1x!tpu.dma_semaphore, #tpu.memory_space<semaphore_mem>> -> memref<!tpu.dma_semaphore, #tpu.memory_space<semaphore_mem>>
      tpu.enqueue_indirect_dma source(%dma_start3A_141 : memref<16384x512xf32, #tpu.memory_space<hbm>>) target(%dma_start3A_138 : memref<16x512xf32, #tpu.memory_space<vmem>>) offsets(%get3A_128 : vector<16xi32>) semaphore(%dma_start3A_143 : memref<!tpu.dma_semaphore, #tpu.memory_space<semaphore_mem>>)
    } else {
    }
    %gt3A_86 = arith.constant 1 : i32
    %gt3A_87 = arith.cmpi sgt, %select_n3A, %gt3A_86 : i32
    %convert_element_type3A_88 = arith.extui %gt3A_87 : i1 to i32
    %cond3A_89 = arith.constant 0 : i32
    %cond3A_90 = arith.cmpi ne, %convert_element_type3A_88, %cond3A_89 : i32
    scf.if %cond3A_90 {
      %get3A_127 = arith.constant 16 : index
      %get3A_128 = tpu.vector_load %arg14[%get3A_127] {strides = array<i32>} : memref<3200xi32, #tpu.memory_space<vmem>>, vector<16xi32>,
      %rem3A_129 = arith.constant 1 : i32
      %rem3A_130 = arith.constant 4 : i32
      %rem3A_131 = arith.remsi %rem3A_129, %rem3A_130 : i32
      %rem3A_132 = arith.constant 1 : i32
      %rem3A_133 = arith.constant 4 : i32
      %rem3A_134 = arith.remsi %rem3A_132, %rem3A_133 : i32
      %dma_start3A_135 = arith.constant 0 : i32
      %dma_start3A_136 = arith.constant 0 : i32
      %dma_start3A_137 = tpu.memref_slice %arg15[%rem3A_131, %dma_start3A_135, %dma_start3A_136] : memref<4x16x512xf32, #tpu.memory_space<vmem>> -> memref<1x16x512xf32, #tpu.memory_space<vmem>>
      %dma_start3A_138 = tpu.memref_squeeze %dma_start3A_137 : memref<1x16x512xf32, #tpu.memory_space<vmem>> -> memref<16x512xf32, #tpu.memory_space<vmem>>
      %dma_start3A_139 = arith.constant 0 : i32
      %dma_start3A_140 = arith.constant 0 : i32
      %dma_start3A_141 = tpu.memref_slice %arg3[%dma_start3A_139, %dma_start3A_140] : memref<16384x512xf32, #tpu.memory_space<hbm>> -> memref<16384x512xf32, #tpu.memory_space<hbm>>
      %dma_start3A_142 = tpu.memref_slice %arg19[%rem3A_134] : memref<4x!tpu.dma_semaphore, #tpu.memory_space<semaphore_mem>> -> memref<1x!tpu.dma_semaphore, #tpu.memory_space<semaphore_mem>>
      %dma_start3A_143 = tpu.memref_squeeze %dma_start3A_142 : memref<1x!tpu.dma_semaphore, #tpu.memory_space<semaphore_mem>> -> memref<!tpu.dma_semaphore, #tpu.memory_space<semaphore_mem>>
      tpu.enqueue_indirect_dma source(%dma_start3A_141 : memref<16384x512xf32, #tpu.memory_space<hbm>>) target(%dma_start3A_138 : memref<16x512xf32, #tpu.memory_space<vmem>>) offsets(%get3A_128 : vector<16xi32>) semaphore(%dma_start3A_143 : memref<!tpu.dma_semaphore, #tpu.memory_space<semaphore_mem>>)
    } else {
    }
    %gt3A_91 = arith.constant 2 : i32
    %gt3A_92 = arith.cmpi sgt, %select_n3A, %gt3A_91 : i32
    %convert_element_type3A_93 = arith.extui %gt3A_92 : i1 to i32
    %cond3A_94 = arith.constant 0 : i32
    %cond3A_95 = arith.cmpi ne, %convert_element_type3A_93, %cond3A_94 : i32
    scf.if %cond3A_95 {
      %get3A_127 = arith.constant 32 : index
      %get3A_128 = tpu.vector_load %arg14[%get3A_127] {strides = array<i32>} : memref<3200xi32, #tpu.memory_space<vmem>>, vector<16xi32>,
      %rem3A_129 = arith.constant 2 : i32
      %rem3A_130 = arith.constant 4 : i32
      %rem3A_131 = arith.remsi %rem3A_129, %rem3A_130 : i32
      %rem3A_132 = arith.constant 2 : i32
      %rem3A_133 = arith.constant 4 : i32
      %rem3A_134 = arith.remsi %rem3A_132, %rem3A_133 : i32
      %dma_start3A_135 = arith.constant 0 : i32
      %dma_start3A_136 = arith.constant 0 : i32
      %dma_start3A_137 = tpu.memref_slice %arg15[%rem3A_131, %dma_start3A_135, %dma_start3A_136] : memref<4x16x512xf32, #tpu.memory_space<vmem>> -> memref<1x16x512xf32, #tpu.memory_space<vmem>>
      %dma_start3A_138 = tpu.memref_squeeze %dma_start3A_137 : memref<1x16x512xf32, #tpu.memory_space<vmem>> -> memref<16x512xf32, #tpu.memory_space<vmem>>
      %dma_start3A_139 = arith.constant 0 : i32
      %dma_start3A_140 = arith.constant 0 : i32
      %dma_start3A_141 = tpu.memref_slice %arg3[%dma_start3A_139, %dma_start3A_140] : memref<16384x512xf32, #tpu.memory_space<hbm>> -> memref<16384x512xf32, #tpu.memory_space<hbm>>
      %dma_start3A_142 = tpu.memref_slice %arg19[%rem3A_134] : memref<4x!tpu.dma_semaphore, #tpu.memory_space<semaphore_mem>> -> memref<1x!tpu.dma_semaphore, #tpu.memory_space<semaphore_mem>>
      %dma_start3A_143 = tpu.memref_squeeze %dma_start3A_142 : memref<1x!tpu.dma_semaphore, #tpu.memory_space<semaphore_mem>> -> memref<!tpu.dma_semaphore, #tpu.memory_space<semaphore_mem>>
      tpu.enqueue_indirect_dma source(%dma_start3A_141 : memref<16384x512xf32, #tpu.memory_space<hbm>>) target(%dma_start3A_138 : memref<16x512xf32, #tpu.memory_space<vmem>>) offsets(%get3A_128 : vector<16xi32>) semaphore(%dma_start3A_143 : memref<!tpu.dma_semaphore, #tpu.memory_space<semaphore_mem>>)
    } else {
    }
    %gt3A_96 = arith.constant 3 : i32
    %gt3A_97 = arith.cmpi sgt, %select_n3A, %gt3A_96 : i32
    %convert_element_type3A_98 = arith.extui %gt3A_97 : i1 to i32
    %cond3A_99 = arith.constant 0 : i32
    %cond3A_100 = arith.cmpi ne, %convert_element_type3A_98, %cond3A_99 : i32
    scf.if %cond3A_100 {
      %get3A_127 = arith.constant 48 : index
      %get3A_128 = tpu.vector_load %arg14[%get3A_127] {strides = array<i32>} : memref<3200xi32, #tpu.memory_space<vmem>>, vector<16xi32>,
      %rem3A_129 = arith.constant 3 : i32
      %rem3A_130 = arith.constant 4 : i32
      %rem3A_131 = arith.remsi %rem3A_129, %rem3A_130 : i32
      %rem3A_132 = arith.constant 3 : i32
      %rem3A_133 = arith.constant 4 : i32
      %rem3A_134 = arith.remsi %rem3A_132, %rem3A_133 : i32
      %dma_start3A_135 = arith.constant 0 : i32
      %dma_start3A_136 = arith.constant 0 : i32
      %dma_start3A_137 = tpu.memref_slice %arg15[%rem3A_131, %dma_start3A_135, %dma_start3A_136] : memref<4x16x512xf32, #tpu.memory_space<vmem>> -> memref<1x16x512xf32, #tpu.memory_space<vmem>>
      %dma_start3A_138 = tpu.memref_squeeze %dma_start3A_137 : memref<1x16x512xf32, #tpu.memory_space<vmem>> -> memref<16x512xf32, #tpu.memory_space<vmem>>
      %dma_start3A_139 = arith.constant 0 : i32
      %dma_start3A_140 = arith.constant 0 : i32
      %dma_start3A_141 = tpu.memref_slice %arg3[%dma_start3A_139, %dma_start3A_140] : memref<16384x512xf32, #tpu.memory_space<hbm>> -> memref<16384x512xf32, #tpu.memory_space<hbm>>
      %dma_start3A_142 = tpu.memref_slice %arg19[%rem3A_134] : memref<4x!tpu.dma_semaphore, #tpu.memory_space<semaphore_mem>> -> memref<1x!tpu.dma_semaphore, #tpu.memory_space<semaphore_mem>>
      %dma_start3A_143 = tpu.memref_squeeze %dma_start3A_142 : memref<1x!tpu.dma_semaphore, #tpu.memory_space<semaphore_mem>> -> memref<!tpu.dma_semaphore, #tpu.memory_space<semaphore_mem>>
      tpu.enqueue_indirect_dma source(%dma_start3A_141 : memref<16384x512xf32, #tpu.memory_space<hbm>>) target(%dma_start3A_138 : memref<16x512xf32, #tpu.memory_space<vmem>>) offsets(%get3A_128 : vector<16xi32>) semaphore(%dma_start3A_143 : memref<!tpu.dma_semaphore, #tpu.memory_space<semaphore_mem>>)
    } else {
    }
    %while3A = arith.constant 0 : i32
    %while3A_101 = arith.constant 0 : i32
    %while3A_102 = arith.subi %select_n3A, %while3A : i32
    %while3A_103 = arith.addi %while3A, %while3A_102 : i32
    %while3A_104 = arith.constant 1 : i32
    %while3A_105 = arith.divsi %while3A_102, %while3A_104 : i32
    %while3A_106 = arith.muli %while3A_105, %while3A_104 : i32
    %while3A_107 = arith.addi %while3A, %while3A_106 : i32
    %while3A_108 = arith.constant 1 : i32
    %while3A_109 = scf.for %while3A_127 = %while3A to %while3A_107 step %while3A_108 iter_args(%while3A_128 = %while3A_101) -> (i32)  : i32 {
      %mul3A_129 = arith.constant 16 : i32
      %mul3A_130 = arith.muli %while3A_127, %mul3A_129 : i32
      %get3A_131 = arith.index_cast %mul3A_130 : i32 to index
      %get3A_132 = tpu.vector_load %arg14[%get3A_131] {strides = array<i32>} : memref<3200xi32, #tpu.memory_space<vmem>>, vector<16xi32>,
      %rem3A_133 = arith.constant 4 : i32
      %rem3A_134 = arith.remsi %while3A_127, %rem3A_133 : i32
      %rem3A_135 = arith.constant 4 : i32
      %rem3A_136 = arith.remsi %while3A_127, %rem3A_135 : i32
      %dma_wait3A_137 = arith.constant 0 : i32
      %dma_wait3A_138 = arith.constant 0 : i32
      %dma_wait3A_139 = tpu.memref_slice %arg15[%rem3A_134, %dma_wait3A_137, %dma_wait3A_138] : memref<4x16x512xf32, #tpu.memory_space<vmem>> -> memref<1x16x512xf32, #tpu.memory_space<vmem>>
      %dma_wait3A_140 = tpu.memref_squeeze %dma_wait3A_139 : memref<1x16x512xf32, #tpu.memory_space<vmem>> -> memref<16x512xf32, #tpu.memory_space<vmem>>
      %dma_wait3A_141 = arith.constant 0 : i32
      %dma_wait3A_142 = arith.constant 0 : i32
      %dma_wait3A_143 = tpu.memref_slice %arg3[%dma_wait3A_141, %dma_wait3A_142] : memref<16384x512xf32, #tpu.memory_space<hbm>> -> memref<16384x512xf32, #tpu.memory_space<hbm>>
      %dma_wait3A_144 = tpu.memref_slice %arg19[%rem3A_136] : memref<4x!tpu.dma_semaphore, #tpu.memory_space<semaphore_mem>> -> memref<1x!tpu.dma_semaphore, #tpu.memory_space<semaphore_mem>>
      %dma_wait3A_145 = tpu.memref_squeeze %dma_wait3A_144 : memref<1x!tpu.dma_semaphore, #tpu.memory_space<semaphore_mem>> -> memref<!tpu.dma_semaphore, #tpu.memory_space<semaphore_mem>>
      tpu.wait_indirect_dma semaphore(%dma_wait3A_145 : memref<!tpu.dma_semaphore, #tpu.memory_space<semaphore_mem>>) src(%dma_wait3A_143 : memref<16384x512xf32, #tpu.memory_space<hbm>>) dst(%dma_wait3A_140 : memref<16x512xf32, #tpu.memory_space<vmem>>)
      %mul3A_146 = arith.constant 16 : i32
      %mul3A_147 = arith.muli %while3A_127, %mul3A_146 : i32
      %get3A_148 = arith.index_cast %mul3A_147 : i32 to index
      %get3A_149 = tpu.vector_load %arg13[%get3A_148] {strides = array<i32>} : memref<3200xi32, #tpu.memory_space<vmem>>, vector<16xi32>,
      %rem3A_150 = arith.constant 4 : i32
      %rem3A_151 = arith.remsi %while3A_127, %rem3A_150 : i32
      %rem3A_152 = arith.constant 4 : i32
      %rem3A_153 = arith.remsi %while3A_127, %rem3A_152 : i32
      %dma_start3A_154 = arith.constant 0 : i32
      %dma_start3A_155 = arith.constant 0 : i32
      %dma_start3A_156 = tpu.memref_slice %arg15[%rem3A_151, %dma_start3A_154, %dma_start3A_155] : memref<4x16x512xf32, #tpu.memory_space<vmem>> -> memref<1x16x512xf32, #tpu.memory_space<vmem>>
      %dma_start3A_157 = tpu.memref_squeeze %dma_start3A_156 : memref<1x16x512xf32, #tpu.memory_space<vmem>> -> memref<16x512xf32, #tpu.memory_space<vmem>>
      %dma_start3A_158 = arith.constant 0 : i32
      %dma_start3A_159 = arith.constant 0 : i32
      %dma_start3A_160 = tpu.memref_slice %arg7[%dma_start3A_158, %dma_start3A_159] : memref<100000x512xf32, #tpu.memory_space<hbm>> -> memref<100000x512xf32, #tpu.memory_space<hbm>>
      %dma_start3A_161 = tpu.memref_slice %arg20[%rem3A_153] : memref<4x!tpu.dma_semaphore, #tpu.memory_space<semaphore_mem>> -> memref<1x!tpu.dma_semaphore, #tpu.memory_space<semaphore_mem>>
      %dma_start3A_162 = tpu.memref_squeeze %dma_start3A_161 : memref<1x!tpu.dma_semaphore, #tpu.memory_space<semaphore_mem>> -> memref<!tpu.dma_semaphore, #tpu.memory_space<semaphore_mem>>
      tpu.enqueue_indirect_dma source(%dma_start3A_157 : memref<16x512xf32, #tpu.memory_space<vmem>>) target(%dma_start3A_160 : memref<100000x512xf32, #tpu.memory_space<hbm>>) offsets(%get3A_149 : vector<16xi32>) semaphore(%dma_start3A_162 : memref<!tpu.dma_semaphore, #tpu.memory_space<semaphore_mem>>)
      %ge3A = arith.constant 1 : i32
      %ge3A_163 = arith.cmpi sge, %while3A_127, %ge3A : i32
      %convert_element_type3A_164 = arith.extui %ge3A_163 : i1 to i32
      %cond3A_165 = arith.constant 0 : i32
      %cond3A_166 = arith.cmpi ne, %convert_element_type3A_164, %cond3A_165 : i32
      scf.if %cond3A_166 {
        %sub3A_177 = arith.constant 1 : i32
        %sub3A_178 = arith.subi %while3A_127, %sub3A_177 : i32
        %mul3A_179 = arith.constant 16 : i32
        %mul3A_180 = arith.muli %sub3A_178, %mul3A_179 : i32
        %get3A_181 = arith.index_cast %mul3A_180 : i32 to index
        %get3A_182 = tpu.vector_load %arg13[%get3A_181] {strides = array<i32>} : memref<3200xi32, #tpu.memory_space<vmem>>, vector<16xi32>,
        %rem3A_183 = arith.constant 4 : i32
        %rem3A_184 = arith.remsi %sub3A_178, %rem3A_183 : i32
        %rem3A_185 = arith.constant 4 : i32
        %rem3A_186 = arith.remsi %sub3A_178, %rem3A_185 : i32
        %dma_wait3A_187 = arith.constant 0 : i32
        %dma_wait3A_188 = arith.constant 0 : i32
        %dma_wait3A_189 = tpu.memref_slice %arg15[%rem3A_184, %dma_wait3A_187, %dma_wait3A_188] : memref<4x16x512xf32, #tpu.memory_space<vmem>> -> memref<1x16x512xf32, #tpu.memory_space<vmem>>
        %dma_wait3A_190 = tpu.memref_squeeze %dma_wait3A_189 : memref<1x16x512xf32, #tpu.memory_space<vmem>> -> memref<16x512xf32, #tpu.memory_space<vmem>>
        %dma_wait3A_191 = arith.constant 0 : i32
        %dma_wait3A_192 = arith.constant 0 : i32
        %dma_wait3A_193 = tpu.memref_slice %arg7[%dma_wait3A_191, %dma_wait3A_192] : memref<100000x512xf32, #tpu.memory_space<hbm>> -> memref<100000x512xf32, #tpu.memory_space<hbm>>
        %dma_wait3A_194 = tpu.memref_slice %arg20[%rem3A_186] : memref<4x!tpu.dma_semaphore, #tpu.memory_space<semaphore_mem>> -> memref<1x!tpu.dma_semaphore, #tpu.memory_space<semaphore_mem>>
        %dma_wait3A_195 = tpu.memref_squeeze %dma_wait3A_194 : memref<1x!tpu.dma_semaphore, #tpu.memory_space<semaphore_mem>> -> memref<!tpu.dma_semaphore, #tpu.memory_space<semaphore_mem>>
        tpu.wait_indirect_dma semaphore(%dma_wait3A_195 : memref<!tpu.dma_semaphore, #tpu.memory_space<semaphore_mem>>) src(%dma_wait3A_190 : memref<16x512xf32, #tpu.memory_space<vmem>>) dst(%dma_wait3A_193 : memref<100000x512xf32, #tpu.memory_space<hbm>>)
      } else {
      }
      %ge3A_167 = arith.constant 1 : i32
      %ge3A_168 = arith.cmpi sge, %while3A_127, %ge3A_167 : i32
      %add3A_169 = arith.constant 3 : i32
      %add3A_170 = arith.addi %while3A_127, %add3A_169 : i32
      %lt3A_171 = arith.cmpi slt, %add3A_170, %select_n3A : i32
      %and3A_172 = arith.andi %ge3A_168, %lt3A_171 : i1
      %convert_element_type3A_173 = arith.extui %and3A_172 : i1 to i32
      %cond3A_174 = arith.constant 0 : i32
      %cond3A_175 = arith.cmpi ne, %convert_element_type3A_173, %cond3A_174 : i32
      scf.if %cond3A_175 {
        %add3A_177 = arith.constant 3 : i32
        %add3A_178 = arith.addi %while3A_127, %add3A_177 : i32
        %mul3A_179 = arith.constant 16 : i32
        %mul3A_180 = arith.muli %add3A_178, %mul3A_179 : i32
        %get3A_181 = arith.index_cast %mul3A_180 : i32 to index
        %get3A_182 = tpu.vector_load %arg14[%get3A_181] {strides = array<i32>} : memref<3200xi32, #tpu.memory_space<vmem>>, vector<16xi32>,
        %rem3A_183 = arith.constant 4 : i32
        %rem3A_184 = arith.remsi %add3A_178, %rem3A_183 : i32
        %rem3A_185 = arith.constant 4 : i32
        %rem3A_186 = arith.remsi %add3A_178, %rem3A_185 : i32
        %dma_start3A_187 = arith.constant 0 : i32
        %dma_start3A_188 = arith.constant 0 : i32
        %dma_start3A_189 = tpu.memref_slice %arg15[%rem3A_184, %dma_start3A_187, %dma_start3A_188] : memref<4x16x512xf32, #tpu.memory_space<vmem>> -> memref<1x16x512xf32, #tpu.memory_space<vmem>>
        %dma_start3A_190 = tpu.memref_squeeze %dma_start3A_189 : memref<1x16x512xf32, #tpu.memory_space<vmem>> -> memref<16x512xf32, #tpu.memory_space<vmem>>
        %dma_start3A_191 = arith.constant 0 : i32
        %dma_start3A_192 = arith.constant 0 : i32
        %dma_start3A_193 = tpu.memref_slice %arg3[%dma_start3A_191, %dma_start3A_192] : memref<16384x512xf32, #tpu.memory_space<hbm>> -> memref<16384x512xf32, #tpu.memory_space<hbm>>
        %dma_start3A_194 = tpu.memref_slice %arg19[%rem3A_186] : memref<4x!tpu.dma_semaphore, #tpu.memory_space<semaphore_mem>> -> memref<1x!tpu.dma_semaphore, #tpu.memory_space<semaphore_mem>>
        %dma_start3A_195 = tpu.memref_squeeze %dma_start3A_194 : memref<1x!tpu.dma_semaphore, #tpu.memory_space<semaphore_mem>> -> memref<!tpu.dma_semaphore, #tpu.memory_space<semaphore_mem>>
        tpu.enqueue_indirect_dma source(%dma_start3A_193 : memref<16384x512xf32, #tpu.memory_space<hbm>>) target(%dma_start3A_190 : memref<16x512xf32, #tpu.memory_space<vmem>>) offsets(%get3A_182 : vector<16xi32>) semaphore(%dma_start3A_195 : memref<!tpu.dma_semaphore, #tpu.memory_space<semaphore_mem>>)
      } else {
      }
      %while3A_176 = arith.constant 0 : i32
      scf.yield %while3A_176 : i32
    }
    %while3A_110 = arith.constant 1 : i32
    %while3A_111 = scf.for %while3A_127 = %while3A_107 to %while3A_103 step %while3A_110 iter_args(%while3A_128 = %while3A_109) -> (i32)  : i32 {
      %mul3A_129 = arith.constant 16 : i32
      %mul3A_130 = arith.muli %while3A_127, %mul3A_129 : i32
      %get3A_131 = arith.index_cast %mul3A_130 : i32 to index
      %get3A_132 = tpu.vector_load %arg14[%get3A_131] {strides = array<i32>} : memref<3200xi32, #tpu.memory_space<vmem>>, vector<16xi32>,
      %rem3A_133 = arith.constant 4 : i32
      %rem3A_134 = arith.remsi %while3A_127, %rem3A_133 : i32
      %rem3A_135 = arith.constant 4 : i32
      %rem3A_136 = arith.remsi %while3A_127, %rem3A_135 : i32
      %dma_wait3A_137 = arith.constant 0 : i32
      %dma_wait3A_138 = arith.constant 0 : i32
      %dma_wait3A_139 = tpu.memref_slice %arg15[%rem3A_134, %dma_wait3A_137, %dma_wait3A_138] : memref<4x16x512xf32, #tpu.memory_space<vmem>> -> memref<1x16x512xf32, #tpu.memory_space<vmem>>
      %dma_wait3A_140 = tpu.memref_squeeze %dma_wait3A_139 : memref<1x16x512xf32, #tpu.memory_space<vmem>> -> memref<16x512xf32, #tpu.memory_space<vmem>>
      %dma_wait3A_141 = arith.constant 0 : i32
      %dma_wait3A_142 = arith.constant 0 : i32
      %dma_wait3A_143 = tpu.memref_slice %arg3[%dma_wait3A_141, %dma_wait3A_142] : memref<16384x512xf32, #tpu.memory_space<hbm>> -> memref<16384x512xf32, #tpu.memory_space<hbm>>
      %dma_wait3A_144 = tpu.memref_slice %arg19[%rem3A_136] : memref<4x!tpu.dma_semaphore, #tpu.memory_space<semaphore_mem>> -> memref<1x!tpu.dma_semaphore, #tpu.memory_space<semaphore_mem>>
      %dma_wait3A_145 = tpu.memref_squeeze %dma_wait3A_144 : memref<1x!tpu.dma_semaphore, #tpu.memory_space<semaphore_mem>> -> memref<!tpu.dma_semaphore, #tpu.memory_space<semaphore_mem>>
      tpu.wait_indirect_dma semaphore(%dma_wait3A_145 : memref<!tpu.dma_semaphore, #tpu.memory_space<semaphore_mem>>) src(%dma_wait3A_143 : memref<16384x512xf32, #tpu.memory_space<hbm>>) dst(%dma_wait3A_140 : memref<16x512xf32, #tpu.memory_space<vmem>>)
      %mul3A_146 = arith.constant 16 : i32
      %mul3A_147 = arith.muli %while3A_127, %mul3A_146 : i32
      %get3A_148 = arith.index_cast %mul3A_147 : i32 to index
      %get3A_149 = tpu.vector_load %arg13[%get3A_148] {strides = array<i32>} : memref<3200xi32, #tpu.memory_space<vmem>>, vector<16xi32>,
      %rem3A_150 = arith.constant 4 : i32
      %rem3A_151 = arith.remsi %while3A_127, %rem3A_150 : i32
      %rem3A_152 = arith.constant 4 : i32
      %rem3A_153 = arith.remsi %while3A_127, %rem3A_152 : i32
      %dma_start3A_154 = arith.constant 0 : i32
      %dma_start3A_155 = arith.constant 0 : i32
      %dma_start3A_156 = tpu.memref_slice %arg15[%rem3A_151, %dma_start3A_154, %dma_start3A_155] : memref<4x16x512xf32, #tpu.memory_space<vmem>> -> memref<1x16x512xf32, #tpu.memory_space<vmem>>
      %dma_start3A_157 = tpu.memref_squeeze %dma_start3A_156 : memref<1x16x512xf32, #tpu.memory_space<vmem>> -> memref<16x512xf32, #tpu.memory_space<vmem>>
      %dma_start3A_158 = arith.constant 0 : i32
      %dma_start3A_159 = arith.constant 0 : i32
      %dma_start3A_160 = tpu.memref_slice %arg7[%dma_start3A_158, %dma_start3A_159] : memref<100000x512xf32, #tpu.memory_space<hbm>> -> memref<100000x512xf32, #tpu.memory_space<hbm>>
      %dma_start3A_161 = tpu.memref_slice %arg20[%rem3A_153] : memref<4x!tpu.dma_semaphore, #tpu.memory_space<semaphore_mem>> -> memref<1x!tpu.dma_semaphore, #tpu.memory_space<semaphore_mem>>
      %dma_start3A_162 = tpu.memref_squeeze %dma_start3A_161 : memref<1x!tpu.dma_semaphore, #tpu.memory_space<semaphore_mem>> -> memref<!tpu.dma_semaphore, #tpu.memory_space<semaphore_mem>>
      tpu.enqueue_indirect_dma source(%dma_start3A_157 : memref<16x512xf32, #tpu.memory_space<vmem>>) target(%dma_start3A_160 : memref<100000x512xf32, #tpu.memory_space<hbm>>) offsets(%get3A_149 : vector<16xi32>) semaphore(%dma_start3A_162 : memref<!tpu.dma_semaphore, #tpu.memory_space<semaphore_mem>>)
      %ge3A = arith.constant 1 : i32
      %ge3A_163 = arith.cmpi sge, %while3A_127, %ge3A : i32
      %convert_element_type3A_164 = arith.extui %ge3A_163 : i1 to i32
      %cond3A_165 = arith.constant 0 : i32
      %cond3A_166 = arith.cmpi ne, %convert_element_type3A_164, %cond3A_165 : i32
      scf.if %cond3A_166 {
        %sub3A_177 = arith.constant 1 : i32
        %sub3A_178 = arith.subi %while3A_127, %sub3A_177 : i32
        %mul3A_179 = arith.constant 16 : i32
        %mul3A_180 = arith.muli %sub3A_178, %mul3A_179 : i32
        %get3A_181 = arith.index_cast %mul3A_180 : i32 to index
        %get3A_182 = tpu.vector_load %arg13[%get3A_181] {strides = array<i32>} : memref<3200xi32, #tpu.memory_space<vmem>>, vector<16xi32>,
        %rem3A_183 = arith.constant 4 : i32
        %rem3A_184 = arith.remsi %sub3A_178, %rem3A_183 : i32
        %rem3A_185 = arith.constant 4 : i32
        %rem3A_186 = arith.remsi %sub3A_178, %rem3A_185 : i32
        %dma_wait3A_187 = arith.constant 0 : i32
        %dma_wait3A_188 = arith.constant 0 : i32
        %dma_wait3A_189 = tpu.memref_slice %arg15[%rem3A_184, %dma_wait3A_187, %dma_wait3A_188] : memref<4x16x512xf32, #tpu.memory_space<vmem>> -> memref<1x16x512xf32, #tpu.memory_space<vmem>>
        %dma_wait3A_190 = tpu.memref_squeeze %dma_wait3A_189 : memref<1x16x512xf32, #tpu.memory_space<vmem>> -> memref<16x512xf32, #tpu.memory_space<vmem>>
        %dma_wait3A_191 = arith.constant 0 : i32
        %dma_wait3A_192 = arith.constant 0 : i32
        %dma_wait3A_193 = tpu.memref_slice %arg7[%dma_wait3A_191, %dma_wait3A_192] : memref<100000x512xf32, #tpu.memory_space<hbm>> -> memref<100000x512xf32, #tpu.memory_space<hbm>>
        %dma_wait3A_194 = tpu.memref_slice %arg20[%rem3A_186] : memref<4x!tpu.dma_semaphore, #tpu.memory_space<semaphore_mem>> -> memref<1x!tpu.dma_semaphore, #tpu.memory_space<semaphore_mem>>
        %dma_wait3A_195 = tpu.memref_squeeze %dma_wait3A_194 : memref<1x!tpu.dma_semaphore, #tpu.memory_space<semaphore_mem>> -> memref<!tpu.dma_semaphore, #tpu.memory_space<semaphore_mem>>
        tpu.wait_indirect_dma semaphore(%dma_wait3A_195 : memref<!tpu.dma_semaphore, #tpu.memory_space<semaphore_mem>>) src(%dma_wait3A_190 : memref<16x512xf32, #tpu.memory_space<vmem>>) dst(%dma_wait3A_193 : memref<100000x512xf32, #tpu.memory_space<hbm>>)
      } else {
      }
      %ge3A_167 = arith.constant 1 : i32
      %ge3A_168 = arith.cmpi sge, %while3A_127, %ge3A_167 : i32
      %add3A_169 = arith.constant 3 : i32
      %add3A_170 = arith.addi %while3A_127, %add3A_169 : i32
      %lt3A_171 = arith.cmpi slt, %add3A_170, %select_n3A : i32
      %and3A_172 = arith.andi %ge3A_168, %lt3A_171 : i1
      %convert_element_type3A_173 = arith.extui %and3A_172 : i1 to i32
      %cond3A_174 = arith.constant 0 : i32
      %cond3A_175 = arith.cmpi ne, %convert_element_type3A_173, %cond3A_174 : i32
      scf.if %cond3A_175 {
        %add3A_177 = arith.constant 3 : i32
        %add3A_178 = arith.addi %while3A_127, %add3A_177 : i32
        %mul3A_179 = arith.constant 16 : i32
        %mul3A_180 = arith.muli %add3A_178, %mul3A_179 : i32
        %get3A_181 = arith.index_cast %mul3A_180 : i32 to index
        %get3A_182 = tpu.vector_load %arg14[%get3A_181] {strides = array<i32>} : memref<3200xi32, #tpu.memory_space<vmem>>, vector<16xi32>,
        %rem3A_183 = arith.constant 4 : i32
        %rem3A_184 = arith.remsi %add3A_178, %rem3A_183 : i32
        %rem3A_185 = arith.constant 4 : i32
        %rem3A_186 = arith.remsi %add3A_178, %rem3A_185 : i32
        %dma_start3A_187 = arith.constant 0 : i32
        %dma_start3A_188 = arith.constant 0 : i32
        %dma_start3A_189 = tpu.memref_slice %arg15[%rem3A_184, %dma_start3A_187, %dma_start3A_188] : memref<4x16x512xf32, #tpu.memory_space<vmem>> -> memref<1x16x512xf32, #tpu.memory_space<vmem>>
        %dma_start3A_190 = tpu.memref_squeeze %dma_start3A_189 : memref<1x16x512xf32, #tpu.memory_space<vmem>> -> memref<16x512xf32, #tpu.memory_space<vmem>>
        %dma_start3A_191 = arith.constant 0 : i32
        %dma_start3A_192 = arith.constant 0 : i32
        %dma_start3A_193 = tpu.memref_slice %arg3[%dma_start3A_191, %dma_start3A_192] : memref<16384x512xf32, #tpu.memory_space<hbm>> -> memref<16384x512xf32, #tpu.memory_space<hbm>>
        %dma_start3A_194 = tpu.memref_slice %arg19[%rem3A_186] : memref<4x!tpu.dma_semaphore, #tpu.memory_space<semaphore_mem>> -> memref<1x!tpu.dma_semaphore, #tpu.memory_space<semaphore_mem>>
        %dma_start3A_195 = tpu.memref_squeeze %dma_start3A_194 : memref<1x!tpu.dma_semaphore, #tpu.memory_space<semaphore_mem>> -> memref<!tpu.dma_semaphore, #tpu.memory_space<semaphore_mem>>
        tpu.enqueue_indirect_dma source(%dma_start3A_193 : memref<16384x512xf32, #tpu.memory_space<hbm>>) target(%dma_start3A_190 : memref<16x512xf32, #tpu.memory_space<vmem>>) offsets(%get3A_182 : vector<16xi32>) semaphore(%dma_start3A_195 : memref<!tpu.dma_semaphore, #tpu.memory_space<semaphore_mem>>)
      } else {
      }
      %while3A_176 = arith.constant 0 : i32
      scf.yield %while3A_176 : i32
    }
    %gt3A_112 = arith.constant 0 : i32
    %gt3A_113 = arith.cmpi sgt, %select_n3A, %gt3A_112 : i32
    %convert_element_type3A_114 = arith.extui %gt3A_113 : i1 to i32
    %cond3A_115 = arith.constant 0 : i32
    %cond3A_116 = arith.cmpi ne, %convert_element_type3A_114, %cond3A_115 : i32
    scf.if %cond3A_116 {
      %sub3A_127 = arith.constant 1 : i32
      %sub3A_128 = arith.subi %select_n3A, %sub3A_127 : i32
      %mul3A_129 = arith.constant 16 : i32
      %mul3A_130 = arith.muli %sub3A_128, %mul3A_129 : i32
      %get3A_131 = arith.index_cast %mul3A_130 : i32 to index
      %get3A_132 = tpu.vector_load %arg13[%get3A_131] {strides = array<i32>} : memref<3200xi32, #tpu.memory_space<vmem>>, vector<16xi32>,
      %rem3A_133 = arith.constant 4 : i32
      %rem3A_134 = arith.remsi %sub3A_128, %rem3A_133 : i32
      %rem3A_135 = arith.constant 4 : i32
      %rem3A_136 = arith.remsi %sub3A_128, %rem3A_135 : i32
      %dma_wait3A_137 = arith.constant 0 : i32
      %dma_wait3A_138 = arith.constant 0 : i32
      %dma_wait3A_139 = tpu.memref_slice %arg15[%rem3A_134, %dma_wait3A_137, %dma_wait3A_138] : memref<4x16x512xf32, #tpu.memory_space<vmem>> -> memref<1x16x512xf32, #tpu.memory_space<vmem>>
      %dma_wait3A_140 = tpu.memref_squeeze %dma_wait3A_139 : memref<1x16x512xf32, #tpu.memory_space<vmem>> -> memref<16x512xf32, #tpu.memory_space<vmem>>
      %dma_wait3A_141 = arith.constant 0 : i32
      %dma_wait3A_142 = arith.constant 0 : i32
      %dma_wait3A_143 = tpu.memref_slice %arg7[%dma_wait3A_141, %dma_wait3A_142] : memref<100000x512xf32, #tpu.memory_space<hbm>> -> memref<100000x512xf32, #tpu.memory_space<hbm>>
      %dma_wait3A_144 = tpu.memref_slice %arg20[%rem3A_136] : memref<4x!tpu.dma_semaphore, #tpu.memory_space<semaphore_mem>> -> memref<1x!tpu.dma_semaphore, #tpu.memory_space<semaphore_mem>>
      %dma_wait3A_145 = tpu.memref_squeeze %dma_wait3A_144 : memref<1x!tpu.dma_semaphore, #tpu.memory_space<semaphore_mem>> -> memref<!tpu.dma_semaphore, #tpu.memory_space<semaphore_mem>>
      tpu.wait_indirect_dma semaphore(%dma_wait3A_145 : memref<!tpu.dma_semaphore, #tpu.memory_space<semaphore_mem>>) src(%dma_wait3A_140 : memref<16x512xf32, #tpu.memory_space<vmem>>) dst(%dma_wait3A_143 : memref<100000x512xf32, #tpu.memory_space<hbm>>)
    } else {
    }
    %lt3A_117 = arith.constant 31 : i32
    %lt3A_118 = arith.cmpi slt, %add3A, %lt3A_117 : i32
    %convert_element_type3A_119 = arith.extui %lt3A_118 : i1 to i32
    %cond3A_120 = arith.constant 0 : i32
    %cond3A_121 = arith.cmpi ne, %convert_element_type3A_119, %cond3A_120 : i32
    scf.if %cond3A_121 {
      "tpu.region"() ({
        %run_scoped3A = tpu.sem_alloc : memref<!tpu.dma_semaphore, #tpu.memory_space<semaphore_mem>>
        %dma_start3A_127 = arith.constant 0 : i32
        %dma_start3A_128 = tpu.memref_slice %arg12[%dma_start3A_127] : memref<3136xi32, #tpu.memory_space<vmem>> -> memref<3136xi32, #tpu.memory_space<vmem>>
        %dma_start3A_129 = tpu.memref_slice %arg8[%mul3A_2] : memref<100000xi32, #tpu.memory_space<hbm>> -> memref<3136xi32, #tpu.memory_space<hbm>>
        %dma_start3A_130 = tpu.memref_slice %arg8[%mul3A_2] : memref<100000xi32, #tpu.memory_space<hbm>> -> memref<3136xi32, #tpu.memory_space<hbm>>
        %dma_start3A_131 = arith.constant 0 : i32
        %dma_start3A_132 = tpu.memref_slice %arg12[%dma_start3A_131] : memref<3136xi32, #tpu.memory_space<vmem>> -> memref<3136xi32, #tpu.memory_space<vmem>>
        tpu.enqueue_dma source(%dma_start3A_132 : memref<3136xi32, #tpu.memory_space<vmem>>) target(%dma_start3A_130 : memref<3136xi32, #tpu.memory_space<hbm>>) target_semaphore(%run_scoped3A : memref<!tpu.dma_semaphore, #tpu.memory_space<semaphore_mem>>)
        %dma_wait3A_133 = arith.constant 0 : i32
        %dma_wait3A_134 = tpu.memref_slice %arg12[%dma_wait3A_133] : memref<3136xi32, #tpu.memory_space<vmem>> -> memref<3136xi32, #tpu.memory_space<vmem>>
        %dma_wait3A_135 = tpu.memref_slice %arg8[%mul3A_2] : memref<100000xi32, #tpu.memory_space<hbm>> -> memref<3136xi32, #tpu.memory_space<hbm>>
        %dma_wait3A_136 = tpu.memref_slice %arg8[%mul3A_2] : memref<100000xi32, #tpu.memory_space<hbm>> -> memref<3136xi32, #tpu.memory_space<hbm>>
        %dma_wait3A_137 = arith.constant 0 : i32
        %dma_wait3A_138 = tpu.memref_slice %arg12[%dma_wait3A_137] : memref<3136xi32, #tpu.memory_space<vmem>> -> memref<3136xi32, #tpu.memory_space<vmem>>
        tpu.wait_dma2 semaphore(%run_scoped3A : memref<!tpu.dma_semaphore, #tpu.memory_space<semaphore_mem>>) src(%dma_wait3A_138 : memref<3136xi32, #tpu.memory_space<vmem>>) dst(%dma_wait3A_136 : memref<3136xi32, #tpu.memory_space<hbm>>)
        tpu.yield
      }) : () -> ()
    } else {
    }
    %eq3A_122 = arith.constant 31 : i32
    %eq3A_123 = arith.cmpi eq, %add3A, %eq3A_122 : i32
    %convert_element_type3A_124 = arith.extui %eq3A_123 : i1 to i32
    %cond3A_125 = arith.constant 0 : i32
    %cond3A_126 = arith.cmpi ne, %convert_element_type3A_124, %cond3A_125 : i32
    scf.if %cond3A_126 {
      "tpu.region"() ({
        %run_scoped3A = tpu.sem_alloc : memref<!tpu.dma_semaphore, #tpu.memory_space<semaphore_mem>>
        %dma_start3A_127 = arith.constant 0 : i32
        %dma_start3A_128 = tpu.memref_slice %arg12[%dma_start3A_127] : memref<3136xi32, #tpu.memory_space<vmem>> -> memref<2784xi32, #tpu.memory_space<vmem>>
        %dma_start3A_129 = tpu.memref_slice %arg8[%mul3A_2] : memref<100000xi32, #tpu.memory_space<hbm>> -> memref<2784xi32, #tpu.memory_space<hbm>>
        %dma_start3A_130 = tpu.memref_slice %arg8[%mul3A_2] : memref<100000xi32, #tpu.memory_space<hbm>> -> memref<2784xi32, #tpu.memory_space<hbm>>
        %dma_start3A_131 = arith.constant 0 : i32
        %dma_start3A_132 = tpu.memref_slice %arg12[%dma_start3A_131] : memref<3136xi32, #tpu.memory_space<vmem>> -> memref<2784xi32, #tpu.memory_space<vmem>>
        tpu.enqueue_dma source(%dma_start3A_132 : memref<2784xi32, #tpu.memory_space<vmem>>) target(%dma_start3A_130 : memref<2784xi32, #tpu.memory_space<hbm>>) target_semaphore(%run_scoped3A : memref<!tpu.dma_semaphore, #tpu.memory_space<semaphore_mem>>)
        %dma_wait3A_133 = arith.constant 0 : i32
        %dma_wait3A_134 = tpu.memref_slice %arg12[%dma_wait3A_133] : memref<3136xi32, #tpu.memory_space<vmem>> -> memref<2784xi32, #tpu.memory_space<vmem>>
        %dma_wait3A_135 = tpu.memref_slice %arg8[%mul3A_2] : memref<100000xi32, #tpu.memory_space<hbm>> -> memref<2784xi32, #tpu.memory_space<hbm>>
        %dma_wait3A_136 = tpu.memref_slice %arg8[%mul3A_2] : memref<100000xi32, #tpu.memory_space<hbm>> -> memref<2784xi32, #tpu.memory_space<hbm>>
        %dma_wait3A_137 = arith.constant 0 : i32
        %dma_wait3A_138 = tpu.memref_slice %arg12[%dma_wait3A_137] : memref<3136xi32, #tpu.memory_space<vmem>> -> memref<2784xi32, #tpu.memory_space<vmem>>
        tpu.wait_dma2 semaphore(%run_scoped3A : memref<!tpu.dma_semaphore, #tpu.memory_space<semaphore_mem>>) src(%dma_wait3A_138 : memref<2784xi32, #tpu.memory_space<vmem>>) dst(%dma_wait3A_136 : memref<2784xi32, #tpu.memory_space<hbm>>)
        tpu.yield
      }) : () -> ()
    } else {
    }
    return
  }
}

</mosaic_0001>

<sc_bundles>
// kernel: _scatter_overwrite.3.cloned.1.call-start
scs
__scs_entry_jumppad:
0x0: {  	(pc) =	sbr.rel $0x88, $3  }
0x1: {  	(tag) =	ssettag $0x0;
	lr =	simm.s32 $0x1  }
0x2: {  	[smem:$0x3F9C] =	sst lr;
	_ =	strace $0xD0000000  }
0x3: {  	_ = 	snop  }
0x4: {  	_ = 	snop  }
0x5: {  	_ = 	snop  }
0x6: {  	_ = 	snop  }
0x7: {  	_ = 	snop  }
__scs_overlays_trampoline_lowered:
0x8: {  	[smem:$0x3FAB] =	sst s0  }
0x9: {  	[smem:$0x3FAC] =	sst s1  }
0xa: {  	[smem:$0x3FAD] =	sst s2  }
0xb: {  	[smem:$0x3FAE] =	sst s3  }
0xc: {  	[smem:$0x3FAF] =	sst s4  }
0xd: {  	[smem:$0x3FB0] =	sst s5  }
0xe: {  	[smem:$0x3FB1] =	sst s6  }
0xf: {  	[smem:$0x3FB2] =	sst s7  }
0x10: {  	[smem:$0x3FB3] =	sst s8  }
0x11: {  	[smem:$0x3FB4] =	sst s9;
	s0 =	simm.s32 @!p0 $0x0  }
0x12: {  	s1 =	sld [smem:$0x3F9A];
	s0 =	simm.s32 @p0 $0x1  }
0x13: {  	[smem:$0x3FB5] =	sst s0;
	s0 =	simm.s32 @!p1 $0x0  }
0x14: {  	s2 =	sld [smem:$0x3F99];
	s0 =	simm.s32 @p1 $0x1  }
0x15: {  	[smem:$0x3FB6] =	sst s0;
	s0 =	simm.s32 @!p2 $0x0  }
0x16: {  	s3 =	sld [smem:$0x3FDB];
	s0 =	simm.s32 @p2 $0x1  }
0x17: {  	s4 =	simm.s32 $0x1BF5;
	[smem:$0x3FB8] =	sst s0  }
0x18: {  	s0 =	sld [smem:$0x3F9B];
	_ =	swait.ge [sflag:s4], $0x0  }
0x19: {  	s7 =	sld [smem:$0x3F9C]  }
0x1a: {  	s8 =	sadd.s32 $0xFFFFE003, lr  }
0x1b: {  	s9 =	sadd.s32 $0xFFFFFEF7, lr;
	s5 =	simm.s32 $0xFFFFFFFF;
	p2 =	slt.u32 s8, $0xFFFFF086  }
0x1c: {  	p1 =	slt.u32 s9, $0xF7A;
	s5 =	simm.s32 @!p2 $0x0  }
0x1d: {  	s5 =	simm.s32 @p1 $0x1;
	p0 =	seq.s32 s7, s2  }
0x1e: {  	s7 =	smul.u32 @!p0 $0xF7A, s2;
	p2 =	seq.s32 @!p0 s5, $0x0  }
0x1f: {  	s9 =	smul.u32 $0xF7A, s1;
	s8 =	simm.s32 @!p0 $0x1BF5;
	p2 =	por !p2, p0  }
0x20: {  	[sflag:s8] =	ssyncset.s32 @!p0 $0xFFFFF086;
	s6 =	sadd.s32 @!p0 s3, s7;
	s7 =	simm.s32 @!p0 $0x108  }
0x21: {  	s3 =	sadd.s32 s3, s9;
	s6 =	sadd.s32 @!p0 $0x88, s6;
	s7 =	simm.s32 @p2 $0x1082  }
0x22: {  	[simem:s7], [sflag:s8] =	dma.local @!p0 [hbm:s6], $0xF7A  }
0x23: {  	s9 =	sor.u32 $0xD0000000, s2;
	s6 =	simm.s32 $0x108;
	_ =	swait.ge @!p0 [sflag:s8], $0x0  }
0x24: {  	s3 =	sadd.s32 $0x88, s3;
	s6 =	simm.s32 @!p1 $0x1082;
	[sflag:s4] =	ssyncset.s32 $0xFFFFF086  }
0x25: {  	[simem:s6], [sflag:s4] =	dma.local [hbm:s3], $0xF7A  }
0x26: {  	[smem:$0x3F9C] =	sst s1;
	(tag) =	ssettag s2;
	_ =	strace s9  }
0x27: {  	s1 =	sld [smem:$0x3FAC]  }
0x28: {  	s2 =	sld [smem:$0x3FAD]  }
0x29: {  	s4 =	sld [smem:$0x3FAF]  }
0x2a: {  	p0 =	seq.s32 s5, $0x0;
	s5 =	sld [smem:$0x3FB0]  }
0x2b: {  	s6 =	sld [smem:$0x3FB1]  }
0x2c: {  	s7 =	sld [smem:$0x3FB2]  }
0x2d: {  	s3 =	simm.s32 $0x108;
	s8 =	sld [smem:$0x3FB3]  }
0x2e: {  	s3 =	simm.s32 @!p0 $0x1082;
	s9 =	sld [smem:$0x3FB4]  }
0x2f: {  	lr =	sadd.s32 s0, s3;
	s0 =	sld [smem:$0x3FAB]  }
0x30: {  	s3 =	sld [smem:$0x3FAE]  }
0x31: {  	[smem:$0x3FB7] =	sst s10  }
0x32: {  	s10 =	sld [smem:$0x3FB5];
	_ =	sdelay $0x3  }
0x33: {  	p0 =	seq.s32 s10, $0x1;
	s10 =	sld [smem:$0x3FB7];
	_ =	sdelay $0x3  }
0x34: {  	[smem:$0x3FB7] =	sst s10  }
0x35: {  	s10 =	sld [smem:$0x3FB6];
	_ =	sdelay $0x3  }
0x36: {  	p1 =	seq.s32 s10, $0x1;
	s10 =	sld [smem:$0x3FB7];
	_ =	sdelay $0x3  }
0x37: {  	[smem:$0x3FB7] =	sst s10  }
0x38: {  	s10 =	sld [smem:$0x3FB8]  }
0x39: {  	_ = 	snop;
	(pc) =	sbr.ind lr, $3  }
0x3a: {  	_ = 	snop  }
0x3b: {  	_ = 	snop  }
0x3c: {  	p2 =	seq.s32 s10, $0x1;
	s10 =	sld [smem:$0x3FB7]  }
0x3d: {  	_ =	shalt  }
0x3e: {  	_ =	shalt  }
0x3f: {  	_ =	shalt  }
0x40: {  	_ =	shalt  }
0x41: {  	_ =	shalt  }
0x42: {  	_ =	shalt  }
0x43: {  	_ =	shalt  }
0x44: {  	_ =	shalt  }
0x45: {  	_ =	shalt  }
0x46: {  	_ =	shalt  }
0x47: {  	_ =	shalt  }
0x48: {  	_ =	shalt  }
0x49: {  	_ =	shalt  }
0x4a: {  	_ =	shalt  }
0x4b: {  	_ =	shalt  }
0x4c: {  	_ =	shalt  }
0x4d: {  	_ =	shalt  }
0x4e: {  	_ =	shalt  }
0x4f: {  	_ =	shalt  }
0x50: {  	_ =	shalt  }
0x51: {  	_ =	shalt  }
0x52: {  	_ =	shalt  }
0x53: {  	_ =	shalt  }
0x54: {  	_ =	shalt  }
0x55: {  	_ =	shalt  }
0x56: {  	_ =	shalt  }
0x57: {  	_ =	shalt  }
0x58: {  	_ =	shalt  }
0x59: {  	_ =	shalt  }
0x5a: {  	_ =	shalt  }
0x5b: {  	_ =	shalt  }
0x5c: {  	_ =	shalt  }
0x5d: {  	_ =	shalt  }
0x5e: {  	_ =	shalt  }
0x5f: {  	_ =	shalt  }
0x60: {  	_ =	shalt  }
0x61: {  	_ =	shalt  }
0x62: {  	_ =	shalt  }
0x63: {  	_ =	shalt  }
0x64: {  	_ =	shalt  }
0x65: {  	_ =	shalt  }
0x66: {  	_ =	shalt  }
0x67: {  	_ =	shalt  }
0x68: {  	_ =	shalt  }
0x69: {  	_ =	shalt  }
0x6a: {  	_ =	shalt  }
0x6b: {  	_ =	shalt  }
0x6c: {  	_ =	shalt  }
0x6d: {  	_ =	shalt  }
0x6e: {  	_ =	shalt  }
0x6f: {  	_ =	shalt  }
0x70: {  	_ =	shalt  }
0x71: {  	_ =	shalt  }
0x72: {  	_ =	shalt  }
0x73: {  	_ =	shalt  }
0x74: {  	_ =	shalt  }
0x75: {  	_ =	shalt  }
0x76: {  	_ =	shalt  }
0x77: {  	_ =	shalt  }
0x78: {  	_ =	shalt  }
0x79: {  	_ =	shalt  }
0x7a: {  	_ =	shalt  }
0x7b: {  	_ =	shalt  }
0x7c: {  	_ =	shalt  }
0x7d: {  	_ =	shalt  }
0x7e: {  	_ =	shalt  }
0x7f: {  	_ =	shalt  }
0x80: {  	_ =	shalt  }
0x81: {  	_ =	shalt  }
0x82: {  	_ =	shalt  }
0x83: {  	_ =	shalt  }
0x84: {  	_ =	shalt  }
0x85: {  	_ =	shalt  }
0x86: {  	_ =	shalt  }
0x87: {  	_ =	shalt  }
.Lfunc_end0:
.L_simem_size_0:
called_computation_lowered:
.L_overlay_start_0:
0x88: {  	s2 =	sld [smem:$0x3FD9]  }
0x89: {  	s3 =	sld [smem:$0x3FFE];
	_ =	sdelay $0x1  }
0x8a: {  	s1 =	srdreg.scid  }
0x8b: {  	s0 =	sand.u32 $0x1, s1  }
0x8c: {  	s15 =	sshll.u32 s0, $0xA;
	s2 =	sadd.s32 s3, s2  }
0x8d: {  	s2 =	sadd.s32 s2, s15  }
0x8e: {  	[smem:$0x3FC3] =	sst s2  }
0x8f: {  	_ = 	snop  }
0x90: {  	s2 =	sld [smem:$0x3FC9]  }
0x91: {  	s16 =	sld [smem:$0x3FC8]  }
0x92: {  	s4 =	sld [smem:$0x3FD0]  }
0x93: {  	s5 =	sld [smem:$0x3FC7]  }
0x94: {  	s6 =	sld [smem:$0x3FC6]  }
0x95: {  	s8 =	simm.s32 $0xA;
	s9 =	simm.s32 $0x10;
	s7 =	sld [smem:$0x3FC5]  }
0x96: {  	[smem:s9], [sflag:s8] =	dma.local [hbm:s4], $0x1  }
0x97: {  	_ =	swait.eq [sflag:s8], $0x1  }
0x98: {  	[sflag:s8] =	ssyncset.done $0x0  }
0x99: {  	s17 =	sld [smem:$0x10];
	[sflag:s8] =	ssyncadd.s32 $0xFFFFFFFF  }
0x9a: {  	s18 =	sld [smem:$0x11];
	(tm) =	ssettm $0x1  }
0x9b: {  	s19 =	sld [smem:$0x3FFB];
	_ =	sdelay $0x3  }
0x9c: {  	_ =	strace s19  }
0x9d: {  	s9 =	sld [smem:$0x3FFC];
	_ =	sdelay $0x3  }
0x9e: {  	_ =	strace s9  }
0x9f: {  	s9 =	sld [smem:$0x3FFD];
	_ =	sdelay $0x3  }
0xa0: {  	_ =	strace s9  }
0xa1: {  	_ =	strace $0x8FFFFFFF  }
0xa2: {  	s20 =	sld [smem:$0x3FDB];
	_ =	sdelay $0x1  }
0xa3: {  	s10 =	simm.s32 $_scs_section_size  }
0xa4: {  	s11 =	simm.s32 $_size__tile_overlayer_lowered;
	s12 =	simm.s32 $_tile_overlayer_lowered  }
0xa5: {  	s23 =	simm.s32 $0x1BFF;
	s22 =	sshll.u32 s12, $0x1;
	s9 =	sadd.s32 s10, s20  }
0xa6: {  	s13 =	simm.s32 $0x0;
	s21 =	sshll.u32 s11, $0x1;
	s11 =	sadd.s32 s22, s9  }
0xa7: {  	[timem:s13], [sflag:s23] =	dma.local [hbm:s11], s21  }
0xa8: {  	_ =	swait.ge [sflag:s23], s21  }
0xa9: {  	s10 =	ssub.s32 $0x0, s21;
	[sflag:s23] =	ssyncset.done $0x0  }
0xaa: {  	[sflag:s23] =	ssyncadd.s32 s10;
	_ =	sdelay $0x1  }
0xab: {  	s24 =	simm.s32 $0x1B8B  }
0xac: {  	_ =	swait.ge [sflag:s24], $0x1  }
0xad: {  	[sflag:s24] =	ssyncset.done $0x0  }
0xae: {  	s25 =	simm.s32 $0x1B8E;
	[sflag:s24] =	ssyncadd.s32 $0xFFFFFFFF  }
0xaf: {  	s26 =	simm.s32 $execute0_lowered;
	[smem:$0x3FD2] =	sst s25  }
0xb0: {  	s10 =	sshll.u32 s26, $0x1;
	_ =	strace $0x80000046;
	[dreg:$0x1] =	wrdreg $0xFFFFFFFF  }
0xb1: {  	s28 =	simm.s32 $_size_execute0_lowered;
	s9 =	sadd.s32 s9, s10;
	[dreg:$0x0] =	wrdreg $0x0  }
0xb2: {  	s10 =	sshll.u32 s28, $0x1;
	[dreg:$0x2] =	wrdreg s9  }
0xb3: {  	[dreg:$0x3] =	wrdreg s10  }
0xb4: {  	[dreg:$0x4] =	wrdreg $0xC0  }
0xb5: {  	_ =	task [dreg:s13], $0x5FFFF  }
0xb6: {  	[dreg:$0x1] =	wrdreg $0xFFFFFFFF  }
0xb7: {  	[dreg:$0x0] =	wrdreg $0x60  }
0xb8: {  	[dreg:$0x2] =	wrdreg s2  }
0xb9: {  	[dreg:$0x3] =	wrdreg s16  }
0xba: {  	[dreg:$0x4] =	wrdreg s5  }
0xbb: {  	[dreg:$0x5] =	wrdreg s6  }
0xbc: {  	[dreg:$0x6] =	wrdreg s7  }
0xbd: {  	[dreg:$0x7] =	wrdreg s17  }
0xbe: {  	[dreg:$0x8] =	wrdreg s18  }
0xbf: {  	[dreg:$0x9] =	wrdreg $0x9  }
0xc0: {  	_ =	task.clear_ibuf [dreg:s13], $0xAFFFF;
	_ =	strace $0x90000046  }
0xc1: {  	s29 =	simm.s32 $0x9;
	_ =	strace $0x80000048  }
0xc2: {  	_ =	swait.ge [sflag:s29], $0x1  }
0xc3: {  	[sflag:s29] =	ssyncadd.s32 $0xFFFFFFFF  }
0xc4: {  	_ =	strace $0x90000048  }
0xc5: {  	_ =	sfence  }
0xc6: {  	s30 =	sld [smem:$0x0];
	_ =	sdelay $0x2  }
0xc7: {  	s31 =	sshll.u32 s1, $0xD;
	s1 =	sshrl.u32 s1, $0x2  }
0xc8: {  	s3 =	sand.u32 $0x4000, s31;
	s1 =	sadd.s32 s1, s30  }
0xc9: {  	s0 =	sor.u32 s3, s0;
	s1 =	sshll.u32 s1, $0x11  }
0xca: {  	s0 =	sor.u32 s1, s0  }
0xcb: {  	s0 =	sadd.s32 $0x8F2B, s0  }
0xcc: {  	[sflag:s0] =	ssyncadd.remote.s32 $0x1  }
0xcd: {  	_ =	sfence.sel $0xFFFF  }
0xce: {  	[dreg:$0x0] =	wrdreg $0xFFFFFFFF;
	(pc) =	sbr.abs _section_cstart, $3  }
0xcf: {  	[dreg:$0x1] =	wrdreg $0xFFFFFFFF  }
0xd0: {  	_ =	task.clear_ibuf [dreg:s13], $0x2FFFF;
	_ =	strace $0x9FFFFFFF  }
0xd1: {  	(tm) =	ssettm $0x7FFFFFFF  }
tec
execute0_lowered:
.L_overlay_start_1:
0x0: {  	(tag) =	ssettag $0x1  }
0x1: {  	s0 =	rddreg [dreg:$0x0]  }
0x2: {  	s1 =	rddreg [dreg:$0x1]  }
0x3: {  	s2 =	rddreg [dreg:$0x2]  }
0x4: {  	s14 =	rddreg [dreg:$0x3]  }
0x5: {  	s18 =	rddreg [dreg:$0x4]  }
0x6: {  	s6 =	rddreg [dreg:$0x5];
	s3 =	srdreg.scid  }
0x7: {  	s15 =	stileid.u32;
	s4 =	rddreg [dreg:$0x6];
	s7 =	simm.s32 $0x0  }
0x8: {  	s22 =	simm.s32 $0x4000;
	s28 =	simm.s32 $0x8000;
	s29 =	simm.s32 $0xA580  }
0x9: {  	s30 =	simm.s32 $0x9900;
	s3 =	sand.u32 $0x1, s3;
	s5 =	sshll.u32 s15, $0x1  }
0xa: {  	[smem:$0x7FF] =	sst s7;
	s20 =	sadd.s32 $0x2F78, s2;
	s26 =	smul.u32 $0x1880, s15  }
0xb: {  	s31 =	sadd.s32 $0x5EF800, s0;
	s15 =	sadd.s32 $0x5EF000, s6;
	s16 =	sadd.s32 $0x100, s1  }
0xc: {  	s17 =	sadd.s32 $0x100, s6;
	s21 =	sadd.s32 $0x2F78, s4;
	s5 =	sor.u32 s3, s5  }
0xd: {  	s8 =	ssub.s32 $0x2, s3;
	_ =	strace $0x80000047;
	s3 =	smul.u32 $0xC40, s3  }
0xe: {  	[dreg:$0xa] =	wrdreg s31;
	s10 =	smul.u32 $0xC40, s5;
	s9 =	sshrl.u32 s8, $0x1  }
0xf: {  	s13 =	smul.u32 $0x31000, s5;
	p0 =	seq.s32 s5, $0x1F;
	s8 =	ssub.s32 s8, s9  }
0x10: {  	v0 =	vimm.s32 $0xFFEDCBA9;
	v1 =	vimm.s32 $0x87654321;
	v2 =	vimm.s32 $0xFFFFFFFF;
	s9 =	smov.u32 s14;
	s11 =	smin.u32 s10, $0x17A60;
	s12 =	sshrl.u32 s10, $0x3  }
.Ltmp0:
0x11: {  	v3 =	vlaneseq.u32;
	v0 =	vunpack.c.l.s4.s8 v0;
	v1 =	vunpack.c.l.s4.s8 v1;
	s25 =	sadd.s32 s0, s13;
	s13 =	sadd.s32 $0x5EF000, s0;
	(pc) =	sbr.rel .LBB2_1-.Ltmp0, $4  }
0x12: {  	vm0 =	vcmask $0x3F3C;
	vm1 =	vmmov $0xffff;
	v6 =	vand.u32 $0x7, v3;
	s23 =	smax.u32 s8, $0x1;
	s14 =	sadd.s32 $0xC40, s11;
	[dreg:$0x8] =	wrdreg s25  }
0x13: {  	v7 =	vshrl.u32 v3, $0x3;
	v4 =	vunpack.c.0.s8.s32 v0;
	v5 =	vunpack.c.0.s8.s32 v1;
	s19 =	sadd.s32 s2, s12;
	s2 =	sadd.s32 $0x800, s25;
	[dreg:$0xb] =	wrdreg s23  }
0x14: {  	v8 =	vor.u32 $0x8, v3;
	v7 =	vmul.u32 $0x8, v7;
	v0 =	vmov s10;
	s11 =	smul.u32 $0x188000, s5;
	[dreg:$0x9] =	wrdreg s2;
	s2 =	sadd.s32 s3, s26  }
0x15: {  	v4 =	vcombine.low v5, v4;
	v5 =	vimm.s32 $0x0;
	s24 =	sadd.s32 s4, s12;
	s4 =	simm.s32 $0x0;
	v1 =	vmov s14;
	[dreg:$0xc] =	wrdreg s2  }
.LBB2_32:
0x16: {  	_ =	sdelay $0x3  }
0x17: {  	[tilespmem:s31], [sflag:s3] =	stream.indirect_vreg.gather @!p2 [hbm4b:s16+s8], $0x80, v9, vm2, $0xb8;
	[tilespmem:$0x1F200] =	vst v63  }
0x18: {  	s9 =	smov.u32 s18  }
0x19: {  	s18 =	smov.u32 s19;
	s19 =	smov.u32 s20;
	s20 =	smov.u32 s24  }
0x1a: {  	[tilespmem:s5], [sflag:s3] =	stream.indirect_vreg.gather @!p2 [hbm4b:s1+s8], $0x80, v10, vm2, $0xb8;
	[tilespmem:$0x1F200] =	vst v63  }
0x1b: {  	s24 =	smov.u32 s21;
	s21 =	smov.u32 s23;
	s23 =	rddreg [dreg:$0xb]  }
0x1c: {  	[tilespmem:s2], [sflag:s3] =	stream.indirect_vreg.gather @!p2 [hbm4b:s16+s8], $0x80, v10, vm2, $0xb8;
	[tilespmem:$0x1F200] =	vst v63  }
.LBB2_33:
0x1d: {  	s2 =	sadd.s32 $0xFFFFFFFF, s25  }
0x1e: {  	s2 =	sand.u32 $0x3, s2  }
0x1f: {  	s2 =	sadd.s32 $0xB, s2  }
0x20: {  	_ =	swait.ge [sflag:s2], $0x2000  }
0x21: {  	[sflag:s2] =	ssyncset.done $0x0  }
0x22: {  	[sflag:s2] =	ssyncadd.s32 $0xFFFFE000  }
.LBB2_34:
0x23: {  	s2 =	simm.s32 @p0 $0x0;
	s3 =	simm.s32 @p0 $0x8C80  }
0x24: {  	[hbm4b:s21+s2] =	stream.linear.scatter @p0 [tilespmem:s3], [sflag:$0xF], $0xAE0, $0x38;
	[tilespmem:$0x1F200] =	vst v63  }
0x25: {  	s2 =	simm.s32 @p0 $0xF  }
0x26: {  	_ =	swait.ge @p0 [sflag:s2], $0xAE0  }
0x27: {  	s4 =	sadd.s32 $0x1, s4;
	s3 =	simm.s32 @!p0 $0x8C80;
	[sflag:s2] =	ssyncset.done @p0 $0x0  }
0x28: {  	p1 =	sne.s32 s4, s23;
	[sflag:s2] =	ssyncadd.s32 @p0 $0xFFFFF520;
	s2 =	simm.s32 @!p0 $0x0  }
0x29: {  	[hbm4b:s24+s2] =	stream.linear.scatter @!p0 [tilespmem:s3], [sflag:$0xF], $0xC40, $0x38;
	[tilespmem:$0x1F200] =	vst v63  }
.Ltmp1:
0x2a: {  	_ = 	snop;
	(pc) =	sbr.rel @!p1 .LBB2_35-.Ltmp1, $4  }
0x2b: {  	s2 =	simm.s32 @!p0 $0xF  }
0x2c: {  	_ =	swait.ge @!p0 [sflag:s2], $0xC40  }
0x2d: {  	[sflag:s2] =	ssyncset.done @!p0 $0x0  }
0x2e: {  	[sflag:s2] =	ssyncadd.s32 @!p0 $0xFFFFF3C0  }
.LBB2_1:
0x2f: {  	[tilespmem:s7], [sflag:$0x7] =	stream.linear.gather [hbm4b:s18+s7], $0x4000, $0x38;
	[tilespmem:$0x1F200] =	vst v63  }
0x30: {  	_ = 	snop  }
0x31: {  	[tilespmem:s22], [sflag:$0x8] =	stream.linear.gather [hbm4b:s9+s7], $0x4000, $0x38;
	[tilespmem:$0x1F200] =	vst v63  }
0x32: {  	s2 =	simm.s32 @p0 $0x0;
	s3 =	simm.s32 @p0 $0x8C80  }
0x33: {  	[tilespmem:s3], [sflag:$0xF] =	stream.linear.gather @p0 [hbm4b:s20+s2], $0xAE0, $0x38;
	[tilespmem:$0x1F200] =	vst v63  }
0x34: {  	s2 =	simm.s32 @p0 $0xF  }
0x35: {  	_ =	swait.ge @p0 [sflag:s2], $0xAE0  }
0x36: {  	[sflag:s2] =	ssyncset.done @p0 $0x0  }
0x37: {  	s3 =	simm.s32 @!p0 $0x8C80;
	[sflag:s2] =	ssyncadd.s32 @p0 $0xFFFFF520;
	s2 =	simm.s32 @!p0 $0x0  }
0x38: {  	[tilespmem:s3], [sflag:$0xF] =	stream.linear.gather @!p0 [hbm4b:s19+s2], $0xC40, $0x38;
	[tilespmem:$0x1F200] =	vst v63  }
0x39: {  	s2 =	simm.s32 @!p0 $0xF  }
0x3a: {  	_ =	swait.ge @!p0 [sflag:s2], $0xC40  }
0x3b: {  	[sflag:s2] =	ssyncset.done @!p0 $0x0  }
0x3c: {  	s26 =	simm.s32 $0x7;
	[sflag:s2] =	ssyncadd.s32 @!p0 $0xFFFFF3C0  }
0x3d: {  	_ =	swait.ge [sflag:s26], $0x4000  }
0x3e: {  	[sflag:s26] =	ssyncset.done $0x0  }
0x3f: {  	s31 =	simm.s32 $0x8;
	[sflag:s26] =	ssyncadd.s32 $0xFFFFC000  }
0x40: {  	_ =	swait.ge [sflag:s31], $0x4000  }
0x41: {  	[sflag:s31] =	ssyncset.done $0x0  }
0x42: {  	s3 =	simm.s32 $0x0;
	s2 =	simm.s32 $0x40;
	[sflag:s31] =	ssyncadd.s32 $0xFFFFC000  }
.LBB2_2:
0x43: {  	p1 =	sne.s32 s2, $0x30C0;
	[tilespmem:s3+$0x8000] =	vst v2;
	s3 =	smov.u32 s2;
	s2 =	sadd.s32 $0x40, s2  }
.Ltmp2:
0x44: {  	(pc) =	sbr.rel @p1 .LBB2_2-.Ltmp2, $2  }
0x45: {  	_ =	sdelay $0x2  }
0x46: {  	s3 =	sshra.s32 s3, $0x2  }
.Ltmp3:
0x47: {  	(pc) =	sbr.rel @!p0 .LBB2_4-.Ltmp3, $2  }
0x48: {  	_ =	sdelay $0x2  }
0x49: {  	[tilespmem:s3+$0x8000] =	vst v2  }
.Ltmp4:
0x4a: {  	s12 =	simm.s32 $0x0;
	s2 =	simm.s32 $0x13200;
	(pc) =	sbr.rel .LBB2_15-.Ltmp4, $4  }
0x4b: {  	s31 =	rddreg [dreg:$0xa];
	s3 =	simm.s32 $0x17200;
	s10 =	simm.s32 $0xC  }
0x4c: {  	[tilespmem:s2], [sflag:$0x1] =	stream.linear.gather [hbm4b:s13+s12], $0x4000, $0x38;
	[tilespmem:$0x1F200] =	vst v63  }
0x4d: {  	s14 =	simm.s32 $0x0;
	s25 =	simm.s32 $0x0;
	s26 =	simm.s32 $0x0  }
0x4e: {  	[tilespmem:s3], [sflag:$0x2] =	stream.linear.gather [hbm4b:s31+s12], $0x4000, $0x38;
	[tilespmem:$0x1F200] =	vst v63  }
.LBB2_4:
0x4f: {  	s31 =	simm.s32 $0x0  }
.Ltmp5:
0x50: {  	s2 =	rddreg [dreg:$0x8];
	s3 =	simm.s32 $0x13200;
	(pc) =	sbr.rel .LBB2_5-.Ltmp5, $4  }
0x51: {  	[tilespmem:s3], [sflag:$0x1] =	stream.linear.gather [hbm4b:s2+s31], $0x4000, $0x38;
	[tilespmem:$0x1F200] =	vst v63  }
0x52: {  	s25 =	rddreg [dreg:$0x9];
	s26 =	simm.s32 $0x17200;
	s12 =	simm.s32 $0x0  }
0x53: {  	[tilespmem:s26], [sflag:$0x2] =	stream.linear.gather [hbm4b:s25+s31], $0x4000, $0x38;
	[tilespmem:$0x1F200] =	vst v63  }
0x54: {  	s14 =	simm.s32 $0x0;
	s10 =	simm.s32 $0x0;
	s26 =	simm.s32 $0xB  }
.LBB2_17:
0x55: {  	s31 =	smov.u32 s12  }
.LBB2_21:
0x56: {  	s2 =	sadd.s32 @p1 $0x10, s31;
	s3 =	smov.u32 s12  }
0x57: {  	v10 =	vshll.u32 v9, $0xE;
	s3 =	smov.u32 @p1 s2  }
0x58: {  	vm2 =	vge.s32 v9, v0;
	vm3 =	vlt.s32 v9, v1;
	v9 =	vadd.s32 s3, v10  }
0x59: {  	vm2 =	vmand vm2, vm3;
	v9 =	vadd.s32 v3, v9  }
0x5a: {  	v9 =	vnsel vm2, $0x7FFFFFFF, v9  }
0x5b: {  	v10 =	vxor.u32 $0x80000000, v9  }
0x5c: {  	(xrf1) =	vsort.ascd.msk.u32 $0xffff, v10, v9;
	_ =	sdelay $0xd  }
0x5d: {  	v9, _, _ =	vpop (xrf1)  }
0x5e: {  	v10 =	vshra.s32 v9, $0xE  }
0x5f: {  	v10 =	vxor.u32 $0xFFFE0000, v10  }
0x60: {  	v11 =	vperm.xlane v10, v4;
	_ =	sdelay $0x1  }
0x61: {  	vm2 =	vne.s32 v10, v11  }
0x62: {  	vm3 =	vlt.s32 v10, v1;
	vm2 =	vmor vm2, vm0  }
0x63: {  	v10 =	vsub.s32 v10, v0;
	vm2 =	vmand vm3, vm2  }
0x64: {  	v10 =	vnsel vm2, $0x0, v10;
	_ =	sdelay $0x3  }
0x65: {  	v9 =	vand.u32 $0x3FFF, v9  }
0x66: {  	[tilespmem:v10+s28+$0x0] =	vst.idx.msk vm2, v9  }
.LBB2_22:
0x67: {  	p1 =	seq.s32 s26, $0x0  }
0x68: {  	s2 =	sadd.s32 @!p1 $0xFFFFFFFF, s26  }
0x69: {  	s3 =	smulhi.u32 @!p1 $0xAAAAAAAB, s2;
	_ =	sdelay $0x1  }
0x6a: {  	s3 =	sshrl.u32 @!p1 s3, $0x1  }
0x6b: {  	s3 =	smul.u32 @!p1 $0x3, s3;
	_ =	sdelay $0x1  }
0x6c: {  	s2 =	ssub.s32 @!p1 s2, s3  }
0x6d: {  	s2 =	sor.u32 @!p1 $0x4, s2  }
0x6e: {  	p2 =	sgt.u32 @!p1 s26, $0x54;
	_ =	swait.ge @!p1 [sflag:s2], $0x4000  }
0x6f: {  	p2 =	por p1, !p2;
	[sflag:s2] =	ssyncset.done @!p1 $0x0  }
0x70: {  	[sflag:s2] =	ssyncadd.s32 @!p1 $0xFFFFC000;
	s2 =	sadd.s32 @p2 $0x2, s26  }
0x71: {  	s3 =	smul.u32 @p2 $0xAB, s2;
	_ =	sdelay $0x1  }
0x72: {  	s3 =	sshrl.u32 @p2 s3, $0x9  }
0x73: {  	s3 =	sand.u32 @p2 $0x7F, s3  }
0x74: {  	s26 =	sadd.s32 $0x1, s26;
	s3 =	smul.u32 @p2 $0x3, s3  }
0x75: {  	p1 =	sne.s32 s26, $0x57  }
.Ltmp6:
0x76: {  	s10 =	sadd.s32 $0xC, s10;
	s3 =	ssub.s32 @p2 s2, s3;
	(pc) =	sbr.rel @!p1 .LBB2_23-.Ltmp6, $4  }
0x77: {  	s25 =	sadd.s32 $0xFFFFFFF4, s25;
	s14 =	sadd.s32 $0xC0, s14;
	s3 =	sand.u32 @p2 $0xFF, s3  }
0x78: {  	s12 =	sadd.s32 $0xC0, s12;
	s2 =	sshll.u32 @p2 s2, $0xB;
	s5 =	sshll.u32 @p2 s3, $0xE  }
0x79: {  	s2 =	sadd.s32 @p2 s2, s13;
	s3 =	sadd.s32 @p2 $0x1, s3;
	s5 =	sor.u32 @p2 $0x13200, s5  }
0x7a: {  	[tilespmem:s5], [sflag:s3] =	stream.linear.gather @p2 [hbm4b:s2+s7], $0x4000, $0x38;
	[tilespmem:$0x1F200] =	vst v63  }
.LBB2_15:
0x7b: {  	s2 =	smul.u32 $0xAB, s26;
	_ =	sdelay $0x1  }
0x7c: {  	s2 =	sshrl.u32 s2, $0x9  }
0x7d: {  	s2 =	sand.u32 $0x7F, s2  }
0x7e: {  	s2 =	smul.u32 $0x3, s2;
	_ =	sdelay $0x1  }
0x7f: {  	s2 =	ssub.s32 s26, s2  }
0x80: {  	s2 =	sand.u32 $0xFF, s2  }
0x81: {  	s3 =	sadd.s32 $0x1, s2  }
0x82: {  	s5 =	sshll.u32 s26, $0xB;
	s8 =	smul.u32 $0xC, s26;
	_ =	swait.ge [sflag:s3], $0x4000  }
0x83: {  	s31 =	sor.u32 $0x4, s2;
	s2 =	sshll.u32 s2, $0xE;
	[sflag:s3] =	ssyncset.done $0x0  }
0x84: {  	s5 =	sadd.s32 s5, s15;
	s2 =	sor.u32 $0x13200, s2;
	[sflag:s3] =	ssyncadd.s32 $0xFFFFC000  }
0x85: {  	[hbm4b:s5+s7] =	stream.linear.scatter [tilespmem:s2], [sflag:s31], $0x4000, $0x38;
	[tilespmem:$0x1F200] =	vst v63  }
0x86: {  	s31 =	sadd.s32 $0xC, s8  }
0x87: {  	s2 =	smin.u32 s31, $0x400  }
0x88: {  	p1 =	sge.u32 s8, s2  }
.Ltmp7:
0x89: {  	_ = 	snop;
	(pc) =	sbr.rel @p1 .LBB2_22-.Ltmp7, $1  }
0x8a: {  	_ =	sdelay $0x3  }
0x8b: {  	s2 =	smin.u32 s10, $0x400  }
0x8c: {  	s2 =	sadd.s32 s25, s2  }
0x8d: {  	p2 =	sne.s32 s2, $0x1  }
.Ltmp8:
0x8e: {  	_ = 	snop;
	(pc) =	sbr.rel @!p2 .LBB2_17-.Ltmp8, $2  }
0x8f: {  	v9 =	vld [tilespmem:s14+$0x0];
	_ =	sdelay $0x2  }
0x90: {  	p1 =	por $0x0, $0x0;
	s2 =	sadd.s32 $0xFFFFFFFF, s2  }
0x91: {  	_ = 	snop  }
0x92: {  	v10 =	vshll.u32 v9, $0xE  }
0x93: {  	vm2 =	vge.s32 v9, v0;
	vm3 =	vlt.s32 v9, v1;
	v9 =	vadd.s32 s12, v10  }
0x94: {  	vm2 =	vmand vm2, vm3;
	v9 =	vadd.s32 v3, v9  }
0x95: {  	v9 =	vnsel vm2, $0x7FFFFFFF, v9  }
0x96: {  	v10 =	vxor.u32 $0x80000000, v9  }
0x97: {  	(xrf1) =	vsort.ascd.msk.u32 $0xffff, v10, v9;
	_ =	sdelay $0xd  }
0x98: {  	v9, _, _ =	vpop (xrf1)  }
0x99: {  	v10 =	vshra.s32 v9, $0xE  }
0x9a: {  	v10 =	vxor.u32 $0xFFFE0000, v10  }
0x9b: {  	v11 =	vperm.xlane v10, v4;
	_ =	sdelay $0x1  }
0x9c: {  	vm2 =	vne.s32 v10, v11  }
0x9d: {  	vm3 =	vlt.s32 v10, v1;
	vm2 =	vmor vm2, vm0  }
0x9e: {  	v10 =	vsub.s32 v10, v0;
	vm2 =	vmand vm3, vm2  }
0x9f: {  	v10 =	vnsel vm2, $0x0, v10;
	_ =	sdelay $0x3  }
0xa0: {  	p2 =	sne.s32 s2, $0x1;
	v9 =	vand.u32 $0x3FFF, v9  }
.Ltmp9:
0xa1: {  	s5 =	sadd.s32 $0x10, s14;
	[tilespmem:v10+s28+$0x0] =	vst.idx.msk vm2, v9;
	(pc) =	sbr.rel @!p2 .LBB2_19-.Ltmp9, $2  }
0xa2: {  	v9 =	vld [tilespmem:s5+$0x0];
	_ =	sdelay $0x2  }
0xa3: {  	s2 =	sadd.s32 $0xFFFFFFFF, s2;
	p1 =	por $0x1, $0x1;
	s31 =	smov.u32 s12  }
.LBB2_20:
0xa4: {  	p2 =	sne.s32 s2, $0x1;
	_ =	sdelay $0x3  }
0xa5: {  	v10 =	vshll.u32 v9, $0xE;
	s31 =	sadd.s32 $0x10, s31  }
0xa6: {  	vm2 =	vge.s32 v9, v0;
	vm3 =	vlt.s32 v9, v1;
	v9 =	vadd.s32 s31, v10  }
0xa7: {  	vm2 =	vmand vm2, vm3;
	v9 =	vadd.s32 v3, v9  }
0xa8: {  	v9 =	vnsel vm2, $0x7FFFFFFF, v9  }
0xa9: {  	v10 =	vxor.u32 $0x80000000, v9  }
0xaa: {  	(xrf1) =	vsort.ascd.msk.u32 $0xffff, v10, v9;
	_ =	sdelay $0xd  }
0xab: {  	v9, _, _ =	vpop (xrf1)  }
0xac: {  	v10 =	vshra.s32 v9, $0xE  }
0xad: {  	v10 =	vxor.u32 $0xFFFE0000, v10  }
0xae: {  	v11 =	vperm.xlane v10, v4;
	_ =	sdelay $0x1  }
0xaf: {  	vm2 =	vne.s32 v10, v11  }
0xb0: {  	vm3 =	vlt.s32 v10, v1;
	vm2 =	vmor vm2, vm0  }
0xb1: {  	v10 =	vsub.s32 v10, v0;
	vm2 =	vmand vm3, vm2  }
0xb2: {  	v10 =	vnsel vm2, $0x0, v10;
	_ =	sdelay $0x1  }
.Ltmp10:
0xb3: {  	(pc) =	sbr.rel @p2 .LBB2_20-.Ltmp10, $4  }
0xb4: {  	_ = 	snop  }
0xb5: {  	v9 =	vand.u32 $0x3FFF, v9  }
0xb6: {  	s5 =	sadd.s32 $0x10, s5;
	[tilespmem:v10+s28+$0x0] =	vst.idx.msk vm2, v9  }
0xb7: {  	s2 =	sadd.s32 $0xFFFFFFFF, s2;
	v9 =	vld [tilespmem:s5+$0x0]  }
.Ltmp11:
0xb8: {  	_ = 	snop;
	(pc) =	sbr.rel .LBB2_21-.Ltmp11, $1  }
0xb9: {  	_ =	sdelay $0x3  }
.LBB2_19:
.Ltmp12:
0xba: {  	(pc) =	sbr.rel .LBB2_21-.Ltmp12, $2  }
0xbb: {  	_ =	sdelay $0x2  }
0xbc: {  	s31 =	smov.u32 s12  }
.LBB2_23:
.Ltmp13:
0xbd: {  	(pc) =	sbr.rel .LBB2_24-.Ltmp13, $2  }
0xbe: {  	_ =	sdelay $0x2  }
0xbf: {  	s2 =	simm.s32 $0x6  }
.LBB2_7:
0xc0: {  	s25 =	smov.u32 s31  }
.LBB2_11:
0xc1: {  	s2 =	sadd.s32 @p1 $0x10, s25;
	s3 =	smov.u32 s31  }
0xc2: {  	v10 =	vshll.u32 v9, $0xE;
	s3 =	smov.u32 @p1 s2  }
0xc3: {  	vm2 =	vge.s32 v9, v0;
	vm3 =	vlt.s32 v9, v1;
	v9 =	vadd.s32 s3, v10  }
0xc4: {  	vm2 =	vmand vm2, vm3;
	v9 =	vadd.s32 v3, v9  }
0xc5: {  	v9 =	vnsel vm2, $0x7FFFFFFF, v9  }
0xc6: {  	v10 =	vxor.u32 $0x80000000, v9  }
0xc7: {  	(xrf1) =	vsort.ascd.msk.u32 $0xffff, v10, v9;
	_ =	sdelay $0xd  }
0xc8: {  	v9, _, _ =	vpop (xrf1)  }
0xc9: {  	v10 =	vshra.s32 v9, $0xE  }
0xca: {  	v10 =	vxor.u32 $0xFFFE0000, v10  }
0xcb: {  	v11 =	vperm.xlane v10, v4;
	_ =	sdelay $0x1  }
0xcc: {  	vm2 =	vne.s32 v10, v11  }
0xcd: {  	vm3 =	vlt.s32 v10, v1;
	vm2 =	vmor vm2, vm0  }
0xce: {  	v10 =	vsub.s32 v10, v0;
	vm2 =	vmand vm3, vm2  }
0xcf: {  	v10 =	vnsel vm2, $0x0, v10;
	_ =	sdelay $0x3  }
0xd0: {  	v9 =	vand.u32 $0x3FFF, v9  }
0xd1: {  	[tilespmem:v10+s28+$0x0] =	vst.idx.msk vm2, v9  }
.LBB2_12:
0xd2: {  	p1 =	seq.s32 s10, $0x0  }
0xd3: {  	s2 =	sadd.s32 @!p1 $0xFFFFFFFF, s10  }
0xd4: {  	s3 =	smulhi.u32 @!p1 $0xAAAAAAAB, s2;
	_ =	sdelay $0x1  }
0xd5: {  	s3 =	sshrl.u32 @!p1 s3, $0x1  }
0xd6: {  	s3 =	smul.u32 @!p1 $0x3, s3;
	_ =	sdelay $0x1  }
0xd7: {  	s2 =	ssub.s32 @!p1 s2, s3  }
0xd8: {  	s2 =	sor.u32 @!p1 $0x4, s2  }
0xd9: {  	p2 =	sgt.u32 @!p1 s10, $0x5F;
	_ =	swait.ge @!p1 [sflag:s2], $0x4000  }
0xda: {  	p2 =	por p1, !p2;
	[sflag:s2] =	ssyncset.done @!p1 $0x0  }
0xdb: {  	[sflag:s2] =	ssyncadd.s32 @!p1 $0xFFFFC000;
	s2 =	sadd.s32 @p2 $0x2, s10  }
0xdc: {  	s3 =	smul.u32 @p2 $0xAB, s2;
	_ =	sdelay $0x1  }
0xdd: {  	s3 =	sshrl.u32 @p2 s3, $0x9  }
0xde: {  	s3 =	sand.u32 @p2 $0x7F, s3  }
0xdf: {  	s10 =	sadd.s32 $0x1, s10;
	s3 =	smul.u32 @p2 $0x3, s3  }
0xe0: {  	s26 =	sadd.s32 $0xB, s26;
	s14 =	sadd.s32 $0xFFFFFFF5, s14;
	p1 =	seq.s32 s10, $0x62  }
.Ltmp14:
0xe1: {  	s5 =	sshll.u32 @p2 s2, $0xE;
	s2 =	ssub.s32 @p2 s2, s3;
	(pc) =	sbr.rel @p1 .LBB2_13-.Ltmp14, $4  }
0xe2: {  	s12 =	sadd.s32 $0xB0, s12;
	s3 =	sadd.s32 @p2 s11, s5;
	s2 =	sand.u32 @p2 $0xFF, s2  }
0xe3: {  	s31 =	sadd.s32 $0xB0, s31;
	s3 =	sshrl.u32 @p2 s3, $0x3;
	s5 =	sshll.u32 @p2 s2, $0xE  }
0xe4: {  	s2 =	sadd.s32 @p2 $0x1, s2;
	s3 =	sadd.s32 @p2 s0, s3;
	s5 =	sor.u32 @p2 $0x13200, s5  }
0xe5: {  	[tilespmem:s5], [sflag:s2] =	stream.linear.gather @p2 [hbm4b:s3+s7], $0x4000, $0x38;
	[tilespmem:$0x1F200] =	vst v63  }
.LBB2_5:
0xe6: {  	s2 =	smul.u32 $0xAB, s10;
	_ =	sdelay $0x1  }
0xe7: {  	s2 =	sshrl.u32 s2, $0x9  }
0xe8: {  	s2 =	sand.u32 $0x7F, s2  }
0xe9: {  	s2 =	smul.u32 $0x3, s2;
	_ =	sdelay $0x1  }
0xea: {  	s2 =	ssub.s32 s10, s2  }
0xeb: {  	s2 =	sand.u32 $0xFF, s2  }
0xec: {  	s3 =	sadd.s32 $0x1, s2  }
0xed: {  	s5 =	sshll.u32 s10, $0xE;
	_ =	swait.ge [sflag:s3], $0x4000  }
0xee: {  	s8 =	sadd.s32 s11, s5;
	s25 =	sor.u32 $0x4, s2;
	[sflag:s3] =	ssyncset.done $0x0  }
0xef: {  	s2 =	sshll.u32 s2, $0xE;
	[sflag:s3] =	ssyncadd.s32 $0xFFFFC000;
	s3 =	sshrl.u32 s8, $0x3  }
0xf0: {  	s2 =	sor.u32 $0x13200, s2;
	s8 =	smul.u32 $0xB, s10;
	s3 =	sadd.s32 s6, s3  }
0xf1: {  	[hbm4b:s3+s7] =	stream.linear.scatter [tilespmem:s2], [sflag:s25], $0x4000, $0x38;
	[tilespmem:$0x1F200] =	vst v63  }
0xf2: {  	s25 =	sadd.s32 $0xB, s8  }
0xf3: {  	s2 =	smin.u32 s25, $0x400  }
0xf4: {  	p1 =	sge.u32 s8, s2  }
.Ltmp15:
0xf5: {  	_ = 	snop;
	(pc) =	sbr.rel @p1 .LBB2_12-.Ltmp15, $1  }
0xf6: {  	_ =	sdelay $0x3  }
0xf7: {  	s2 =	smin.u32 s26, $0x400  }
0xf8: {  	s2 =	sadd.s32 s14, s2  }
0xf9: {  	p2 =	sne.s32 s2, $0x1  }
.Ltmp16:
0xfa: {  	_ = 	snop;
	(pc) =	sbr.rel @!p2 .LBB2_7-.Ltmp16, $2  }
0xfb: {  	v9 =	vld [tilespmem:s12+$0x0];
	_ =	sdelay $0x2  }
0xfc: {  	p1 =	por $0x0, $0x0;
	s2 =	sadd.s32 $0xFFFFFFFF, s2  }
0xfd: {  	_ = 	snop  }
0xfe: {  	v10 =	vshll.u32 v9, $0xE  }
0xff: {  	vm2 =	vge.s32 v9, v0;
	vm3 =	vlt.s32 v9, v1;
	v9 =	vadd.s32 s31, v10  }
0x100: {  	vm2 =	vmand vm2, vm3;
	v9 =	vadd.s32 v3, v9  }
0x101: {  	v9 =	vnsel vm2, $0x7FFFFFFF, v9  }
0x102: {  	v10 =	vxor.u32 $0x80000000, v9  }
0x103: {  	(xrf1) =	vsort.ascd.msk.u32 $0xffff, v10, v9;
	_ =	sdelay $0xd  }
0x104: {  	v9, _, _ =	vpop (xrf1)  }
0x105: {  	v10 =	vshra.s32 v9, $0xE  }
0x106: {  	v10 =	vxor.u32 $0xFFFE0000, v10  }
0x107: {  	v11 =	vperm.xlane v10, v4;
	_ =	sdelay $0x1  }
0x108: {  	vm2 =	vne.s32 v10, v11  }
0x109: {  	vm3 =	vlt.s32 v10, v1;
	vm2 =	vmor vm2, vm0  }
0x10a: {  	v10 =	vsub.s32 v10, v0;
	vm2 =	vmand vm3, vm2  }
0x10b: {  	v10 =	vnsel vm2, $0x0, v10;
	_ =	sdelay $0x3  }
0x10c: {  	p2 =	sne.s32 s2, $0x1;
	v9 =	vand.u32 $0x3FFF, v9  }
.Ltmp17:
0x10d: {  	s5 =	sadd.s32 $0x10, s12;
	[tilespmem:v10+s28+$0x0] =	vst.idx.msk vm2, v9;
	(pc) =	sbr.rel @!p2 .LBB2_9-.Ltmp17, $2  }
0x10e: {  	v9 =	vld [tilespmem:s5+$0x0];
	_ =	sdelay $0x2  }
0x10f: {  	s2 =	sadd.s32 $0xFFFFFFFF, s2;
	p1 =	por $0x1, $0x1;
	s25 =	smov.u32 s31  }
.LBB2_10:
0x110: {  	p2 =	sne.s32 s2, $0x1;
	_ =	sdelay $0x3  }
0x111: {  	v10 =	vshll.u32 v9, $0xE;
	s25 =	sadd.s32 $0x10, s25  }
0x112: {  	vm2 =	vge.s32 v9, v0;
	vm3 =	vlt.s32 v9, v1;
	v9 =	vadd.s32 s25, v10  }
0x113: {  	vm2 =	vmand vm2, vm3;
	v9 =	vadd.s32 v3, v9  }
0x114: {  	v9 =	vnsel vm2, $0x7FFFFFFF, v9  }
0x115: {  	v10 =	vxor.u32 $0x80000000, v9  }
0x116: {  	(xrf1) =	vsort.ascd.msk.u32 $0xffff, v10, v9;
	_ =	sdelay $0xd  }
0x117: {  	v9, _, _ =	vpop (xrf1)  }
0x118: {  	v10 =	vshra.s32 v9, $0xE  }
0x119: {  	v10 =	vxor.u32 $0xFFFE0000, v10  }
0x11a: {  	v11 =	vperm.xlane v10, v4;
	_ =	sdelay $0x1  }
0x11b: {  	vm2 =	vne.s32 v10, v11  }
0x11c: {  	vm3 =	vlt.s32 v10, v1;
	vm2 =	vmor vm2, vm0  }
0x11d: {  	v10 =	vsub.s32 v10, v0;
	vm2 =	vmand vm3, vm2  }
0x11e: {  	v10 =	vnsel vm2, $0x0, v10;
	_ =	sdelay $0x1  }
.Ltmp18:
0x11f: {  	(pc) =	sbr.rel @p2 .LBB2_10-.Ltmp18, $4  }
0x120: {  	_ = 	snop  }
0x121: {  	v9 =	vand.u32 $0x3FFF, v9  }
0x122: {  	s5 =	sadd.s32 $0x10, s5;
	[tilespmem:v10+s28+$0x0] =	vst.idx.msk vm2, v9  }
0x123: {  	s2 =	sadd.s32 $0xFFFFFFFF, s2;
	v9 =	vld [tilespmem:s5+$0x0]  }
.Ltmp19:
0x124: {  	_ = 	snop;
	(pc) =	sbr.rel .LBB2_11-.Ltmp19, $1  }
0x125: {  	_ =	sdelay $0x3  }
.LBB2_9:
.Ltmp20:
0x126: {  	(pc) =	sbr.rel .LBB2_11-.Ltmp20, $2  }
0x127: {  	_ =	sdelay $0x2  }
0x128: {  	s25 =	smov.u32 s31  }
.LBB2_13:
0x129: {  	s2 =	simm.s32 $0x5  }
.LBB2_24:
0x12a: {  	_ =	swait.ge [sflag:s2], $0x4000  }
0x12b: {  	[sflag:s2] =	ssyncset.done $0x0  }
0x12c: {  	s31 =	simm.s32 $0x0;
	[sflag:s2] =	ssyncadd.s32 $0xFFFFC000  }
0x12d: {  	v9 =	vld [tilespmem:s31+$0x8000];
	_ =	sdelay $0x4  }
0x12e: {  	vm2 =	vgt.s32 v9, $0xFFFFFFFF  }
0x12f: {  	v10 =	vsel vm2, $0x1, v5  }
0x130: {  	vm3 =	vgt.s32 v9, $0x0;
	(xrf0) =	vadd.scan.msk.s32 $0xffff, v10  }
0x131: {  	v11 =	vnsel vm3, $0x0, v9  }
0x132: {  	s10 =	simm.s32 $0x0  }
0x133: {  	v10 =	vmov s10  }
0x134: {  	v10 =	vadd.s32 $0xFFFFFFFF, v10  }
0x135: {  	v12 =	vld [tilespmem:s31+$0x8C80];
	v10 =	vbroadcast v10, $0x0  }
0x136: {  	v11 =	vld.idx.msk [tilespmem:v11+s22+$0x0], vm2;
	v13, _, _ =	vpop (xrf0)  }
0x137: {  	v10 =	vadd.s32 v13, v10;
	(v2sf) =	vpush v13, $0xF  }
0x138: {  	v10 =	vnsel vm2, $0x0, v10;
	_ =	sdelay $0x2  }
0x139: {  	v11 =	vsel vm2, v11, v12  }
0x13a: {  	s2 =	rddreg [dreg:$0xc];
	[tilespmem:s31+$0x8C80] =	vst v11  }
0x13b: {  	[tilespmem:v10+s29+$0x0] =	vst.idx.msk vm2, v9;
	v9 =	vor.u32 s2, v3  }
0x13c: {  	s12 =	simm.s32 $0x10;
	[tilespmem:v10+s30+$0x0] =	vst.idx.msk vm2, v9  }
0x13d: {  	v9 =	vld [tilespmem:s12+$0x8000];
	_ =	sdelay $0x4  }
0x13e: {  	vm2 =	vgt.s32 v9, $0xFFFFFFFF  }
0x13f: {  	vm3 =	vgt.s32 v9, $0x0;
	v11 =	vsel vm2, $0x1, v5  }
0x140: {  	s3 =	simm.s32 $0x80;
	v10 =	vnsel vm3, $0x0, v9;
	(xrf0) =	vadd.scan.msk.s32 $0xffff, v11;
	s5 =	spop (v2sf)  }
.LBB2_25:
0x141: {  	s10 =	sadd.s32 s10, s5  }
0x142: {  	s2 =	sadd.s32 $0x10, s2;
	s5 =	smov.u32 s3;
	s8 =	sadd.s32 $0x40, s3  }
0x143: {  	p1 =	sne.s32 s3, $0x30C0;
	v11 =	vmov s10  }
0x144: {  	v11 =	vadd.s32 $0xFFFFFFFF, v11;
	_ =	sdelay $0x1  }
0x145: {  	v11 =	vbroadcast v11, $0x0;
	v10 =	vld.idx.msk [tilespmem:v10+s22+$0x0], vm2  }
0x146: {  	v12 =	vld [tilespmem:s12+$0x8C80];
	v13, _, _ =	vpop (xrf0)  }
0x147: {  	v11 =	vadd.s32 v13, v11;
	(v2sf) =	vpush v13, $0xF  }
0x148: {  	v11 =	vnsel vm2, $0x0, v11;
	_ =	sdelay $0x2  }
0x149: {  	v10 =	vsel vm2, v10, v12  }
0x14a: {  	[tilespmem:s12+$0x8C80] =	vst v10  }
0x14b: {  	[tilespmem:v11+s29+$0x0] =	vst.idx.msk vm2, v9;
	v9 =	vor.u32 s2, v3  }
0x14c: {  	s12 =	sshra.s32 s5, $0x2;
	[tilespmem:v11+s30+$0x0] =	vst.idx.msk vm2, v9  }
0x14d: {  	v9 =	vld [tilespmem:s12+$0x8000];
	_ =	sdelay $0x2  }
.Ltmp21:
0x14e: {  	(pc) =	sbr.rel @p1 .LBB2_25-.Ltmp21, $4  }
0x14f: {  	_ = 	snop  }
0x150: {  	vm2 =	vgt.s32 v9, $0xFFFFFFFF;
	vm3 =	vgt.s32 v9, $0x0  }
0x151: {  	v11 =	vsel vm2, $0x1, v5;
	v10 =	vnsel vm3, $0x0, v9  }
0x152: {  	s3 =	smov.u32 s8;
	(xrf0) =	vadd.scan.msk.s32 $0xffff, v11;
	s5 =	spop (v2sf)  }
0x153: {  	_ =	sdelay $0x4  }
0x154: {  	v11, _, _ =	vpop (xrf0)  }
0x155: {  	(v2sf) =	vpush v11, $0xF;
	_ =	sdelay $0x4  }
0x156: {  	s3 =	sadd.s32 s10, s5  }
0x157: {  	v12 =	vmov s3  }
0x158: {  	v12 =	vadd.s32 $0xFFFFFFFF, v12  }
0x159: {  	v10 =	vld.idx.msk [tilespmem:v10+s22+$0x0], vm2;
	v12 =	vbroadcast v12, $0x0  }
0x15a: {  	v13 =	vld [tilespmem:s12+$0x8C80]  }
0x15b: {  	v11 =	vadd.s32 v11, v12  }
0x15c: {  	v11 =	vnsel vm2, $0x0, v11;
	_ =	sdelay $0x2  }
0x15d: {  	v10 =	vsel vm2, v10, v13  }
0x15e: {  	s2 =	sadd.s32 $0x10, s2;
	[tilespmem:s12+$0x8C80] =	vst v10;
	s25 =	spop (v2sf)  }
0x15f: {  	[tilespmem:v11+s29+$0x0] =	vst.idx.msk vm2, v9;
	v9 =	vor.u32 s2, v3;
	s2 =	sadd.s32 s3, s25  }
0x160: {  	s3 =	sadd.s32 $0xF, s2  }
0x161: {  	s26 =	sand.u32 $0xF, s3  }
0x162: {  	s31 =	sshra.s32 s3, $0x1F;
	p1 =	slt.s32 s3, $0x1;
	p2 =	sne.s32 s26, $0x0  }
0x163: {  	[tilespmem:v11+s30+$0x0] =	vst.idx.msk vm2, v9;
	v11 =	vadd.s32 s2, v3;
	s2 =	sshrl.u32 s31, $0x1C;
	p1 =	por !p1, !p2  }
0x164: {  	v9 =	vld [tilespmem:$0xA580];
	s2 =	sadd.s32 s2, s3;
	s3 =	simm.s32 $0x1;
	p1 =	por !p1, !p1  }
0x165: {  	v10 =	vld [tilespmem:$0x9900];
	s14 =	sshra.s32 s2, $0x4;
	s3 =	simm.s32 @!p1 $0x0  }
0x166: {  	s25 =	ssub.s32 s14, s3  }
0x167: {  	p2 =	slt.s32 s25, $0x1  }
.Ltmp22:
0x168: {  	_ = 	snop;
	(pc) =	sbr.rel @p2 .LBB2_34-.Ltmp22, $4  }
0x169: {  	v9 =	vperm.xlane v9, v5  }
0x16a: {  	v10 =	vperm.xlane v10, v5  }
0x16b: {  	[tilespmem:v11+s29+$0x0] =	vst.idx.msk $0xffff, v9  }
0x16c: {  	[tilespmem:v11+s30+$0x0] =	vst.idx.msk $0xffff, v10  }
0x16d: {  	v9 =	vld [tilespmem:$0xA580];
	_ =	sdelay $0x4  }
0x16e: {  	v10 =	vshll.u32 v9, $0x2  }
0x16f: {  	v9 =	vand.u32 $0x7, v9;
	v10 =	vand.u32 $0xFFFFFFE0, v10  }
0x170: {  	v9 =	vor.u32 v9, v10  }
0x171: {  	v10 =	vperm.xlane v9, v6;
	_ =	sdelay $0x1  }
0x172: {  	v10 =	vadd.s32 v7, v10;
	_ =	sdelay $0x2  }
0x173: {  	v9 =	vperm.xlane v9, v8  }
0x174: {  	s2 =	simm.s32 $0xB200  }
0x175: {  	v9 =	vadd.s32 v7, v9;
	[tilespmem:s2], [sflag:$0x7] =	stream.indirect_vreg.gather [hbm4b:s1+s7], $0x80, v10, vm1, $0xb8;
	[tilespmem:$0x1F200] =	vst v63  }
0x176: {  	s12 =	simm.s32 $0xBA00;
	p2 =	seq.s32 s25, $0x1  }
0x177: {  	[tilespmem:s12], [sflag:$0x7] =	stream.indirect_vreg.gather [hbm4b:s16+s7], $0x80, v10, vm1, $0xb8;
	[tilespmem:$0x1F200] =	vst v63  }
.Ltmp23:
0x178: {  	_ = 	snop;
	(pc) =	sbr.rel @p2 .LBB2_29-.Ltmp23, $4  }
0x179: {  	s26 =	simm.s32 $0xC200  }
0x17a: {  	[tilespmem:s26], [sflag:$0x7] =	stream.indirect_vreg.gather [hbm4b:s1+s7], $0x80, v9, vm1, $0xb8;
	[tilespmem:$0x1F200] =	vst v63  }
0x17b: {  	s31 =	simm.s32 $0xCA00  }
0x17c: {  	[tilespmem:s31], [sflag:$0x7] =	stream.indirect_vreg.gather [hbm4b:s16+s7], $0x80, v9, vm1, $0xb8;
	[tilespmem:$0x1F200] =	vst v63  }
0x17d: {  	v9 =	vld [tilespmem:$0xA590];
	_ =	sdelay $0x4  }
0x17e: {  	v10 =	vshll.u32 v9, $0x2  }
0x17f: {  	v9 =	vand.u32 $0x7, v9;
	v10 =	vand.u32 $0xFFFFFFE0, v10  }
0x180: {  	v9 =	vor.u32 v9, v10  }
0x181: {  	v10 =	vperm.xlane v9, v6;
	_ =	sdelay $0x1  }
0x182: {  	v10 =	vadd.s32 v7, v10;
	_ =	sdelay $0x1  }
0x183: {  	v9 =	vperm.xlane v9, v8;
	_ =	sdelay $0x1  }
0x184: {  	s2 =	simm.s32 $0xD200;
	v9 =	vadd.s32 v7, v9  }
0x185: {  	[tilespmem:s2], [sflag:$0x8] =	stream.indirect_vreg.gather [hbm4b:s1+s7], $0x80, v10, vm1, $0xb8;
	[tilespmem:$0x1F200] =	vst v63  }
0x186: {  	s12 =	simm.s32 $0xDA00  }
0x187: {  	[tilespmem:s12], [sflag:$0x8] =	stream.indirect_vreg.gather [hbm4b:s16+s7], $0x80, v10, vm1, $0xb8;
	[tilespmem:$0x1F200] =	vst v63  }
0x188: {  	s26 =	simm.s32 $0xE200  }
0x189: {  	[tilespmem:s26], [sflag:$0x8] =	stream.indirect_vreg.gather [hbm4b:s1+s7], $0x80, v9, vm1, $0xb8;
	[tilespmem:$0x1F200] =	vst v63  }
0x18a: {  	s31 =	simm.s32 $0xEA00;
	p3 =	slt.u32 s25, $0x3  }
0x18b: {  	[tilespmem:s31], [sflag:$0x8] =	stream.indirect_vreg.gather [hbm4b:s16+s7], $0x80, v9, vm1, $0xb8;
	[tilespmem:$0x1F200] =	vst v63  }
0x18c: {  	v9 =	vld @!p3 [tilespmem:$0xA5A0];
	_ =	sdelay $0x4  }
0x18d: {  	v10 =	vshll.u32 @!p3 v9, $0x2  }
0x18e: {  	v11 =	vlaneseq.u32 @!p3;
	v9 =	vand.u32 @!p3 $0x7, v9;
	v10 =	vand.u32 @!p3 $0xFFFFFFE0, v10  }
0x18f: {  	v12 =	vshrl.u32 @!p3 v11, $0x3;
	v9 =	vor.u32 @!p3 v9, v10;
	v10 =	vand.u32 @!p3 $0x7, v11  }
0x190: {  	v12 =	vmul.u32 @!p3 $0x8, v12;
	v10 =	vperm.xlane @!p3 v9, v10;
	_ =	sdelay $0x1  }
0x191: {  	v10 =	vadd.s32 @!p3 v12, v10  }
0x192: {  	v11 =	vor.u32 @!p3 $0x8, v11  }
0x193: {  	v9 =	vperm.xlane @!p3 v9, v11;
	_ =	sdelay $0x1  }
0x194: {  	vm2 =	vmmov @!p3 $0xffff;
	s3 =	simm.s32 @!p3 $0xF200;
	s2 =	simm.s32 @!p3 $0x0;
	v9 =	vadd.s32 @!p3 v12, v9  }
0x195: {  	[tilespmem:s3], [sflag:$0x9] =	stream.indirect_vreg.gather @!p3 [hbm4b:s1+s2], $0x80, v10, vm2, $0xb8;
	[tilespmem:$0x1F200] =	vst v63  }
0x196: {  	s3 =	simm.s32 @!p3 $0xFA00  }
0x197: {  	[tilespmem:s3], [sflag:$0x9] =	stream.indirect_vreg.gather @!p3 [hbm4b:s16+s2], $0x80, v10, vm2, $0xb8;
	[tilespmem:$0x1F200] =	vst v63  }
0x198: {  	s3 =	simm.s32 @!p3 $0x10200  }
0x199: {  	[tilespmem:s3], [sflag:$0x9] =	stream.indirect_vreg.gather @!p3 [hbm4b:s1+s2], $0x80, v9, vm2, $0xb8;
	[tilespmem:$0x1F200] =	vst v63  }
0x19a: {  	p4 =	seq.s32 @!p3 s25, $0x3;
	s3 =	simm.s32 @!p3 $0x10A00  }
0x19b: {  	[tilespmem:s3], [sflag:$0x9] =	stream.indirect_vreg.gather @!p3 [hbm4b:s16+s2], $0x80, v9, vm2, $0xb8;
	[tilespmem:$0x1F200] =	vst v63  }
0x19c: {  	p3 =	por p4, p3  }
0x19d: {  	v9 =	vld @!p3 [tilespmem:$0xA5B0];
	_ =	sdelay $0x4  }
0x19e: {  	v10 =	vshll.u32 @!p3 v9, $0x2  }
0x19f: {  	v11 =	vlaneseq.u32 @!p3;
	v9 =	vand.u32 @!p3 $0x7, v9;
	v10 =	vand.u32 @!p3 $0xFFFFFFE0, v10  }
0x1a0: {  	v12 =	vshrl.u32 @!p3 v11, $0x3;
	v9 =	vor.u32 @!p3 v9, v10;
	v10 =	vand.u32 @!p3 $0x7, v11  }
0x1a1: {  	v12 =	vmul.u32 @!p3 $0x8, v12;
	v10 =	vperm.xlane @!p3 v9, v10;
	_ =	sdelay $0x1  }
0x1a2: {  	v10 =	vadd.s32 @!p3 v12, v10  }
0x1a3: {  	v11 =	vor.u32 @!p3 $0x8, v11  }
0x1a4: {  	v9 =	vperm.xlane @!p3 v9, v11;
	_ =	sdelay $0x1  }
0x1a5: {  	vm2 =	vmmov @!p3 $0xffff;
	s2 =	simm.s32 @!p3 $0x0;
	s3 =	simm.s32 @!p3 $0x11200;
	v9 =	vadd.s32 @!p3 v12, v9  }
0x1a6: {  	[tilespmem:s3], [sflag:$0xA] =	stream.indirect_vreg.gather @!p3 [hbm4b:s1+s2], $0x80, v10, vm2, $0xb8;
	[tilespmem:$0x1F200] =	vst v63  }
0x1a7: {  	s3 =	simm.s32 @!p3 $0x11A00  }
0x1a8: {  	[tilespmem:s3], [sflag:$0xA] =	stream.indirect_vreg.gather @!p3 [hbm4b:s16+s2], $0x80, v10, vm2, $0xb8;
	[tilespmem:$0x1F200] =	vst v63  }
0x1a9: {  	s3 =	simm.s32 @!p3 $0x12200  }
0x1aa: {  	[tilespmem:s3], [sflag:$0xA] =	stream.indirect_vreg.gather @!p3 [hbm4b:s1+s2], $0x80, v9, vm2, $0xb8;
	[tilespmem:$0x1F200] =	vst v63  }
0x1ab: {  	s3 =	simm.s32 @!p3 $0x12A00  }
0x1ac: {  	[tilespmem:s3], [sflag:$0xA] =	stream.indirect_vreg.gather @!p3 [hbm4b:s16+s2], $0x80, v9, vm2, $0xb8;
	[tilespmem:$0x1F200] =	vst v63  }
.LBB2_29:
0x1ad: {  	s2 =	simm.s32 $0x7  }
0x1ae: {  	_ =	swait.ge [sflag:s2], $0x2000  }
0x1af: {  	[sflag:s2] =	ssyncset.done $0x0  }
0x1b0: {  	[sflag:s2] =	ssyncadd.s32 $0xFFFFE000  }
0x1b1: {  	v9 =	vld [tilespmem:$0x9900];
	_ =	sdelay $0x4  }
0x1b2: {  	v10 =	vshll.u32 v9, $0x2  }
0x1b3: {  	v9 =	vand.u32 $0x7, v9;
	v10 =	vand.u32 $0xFFFFFFE0, v10  }
0x1b4: {  	v9 =	vor.u32 v9, v10  }
0x1b5: {  	v10 =	vperm.xlane v9, v6;
	_ =	sdelay $0x1  }
0x1b6: {  	v10 =	vadd.s32 v7, v10;
	_ =	sdelay $0x2  }
0x1b7: {  	v9 =	vperm.xlane v9, v8  }
0x1b8: {  	s10 =	simm.s32 $0xB200  }
0x1b9: {  	v9 =	vadd.s32 v7, v9;
	[hbm4b:s6+s7] =	stream.indirect_vreg.scatter [tilespmem:s10], [sflag:$0xB], $0x80, v10, vm1, $0xb8;
	[tilespmem:$0x1F200] =	vst v63  }
0x1ba: {  	s12 =	simm.s32 $0xBA00  }
0x1bb: {  	[hbm4b:s17+s7] =	stream.indirect_vreg.scatter [tilespmem:s12], [sflag:$0xB], $0x80, v10, vm1, $0xb8;
	[tilespmem:$0x1F200] =	vst v63  }
.Ltmp24:
0x1bc: {  	_ = 	snop;
	(pc) =	sbr.rel @p2 .LBB2_33-.Ltmp24, $4  }
0x1bd: {  	s26 =	simm.s32 $0xC200  }
0x1be: {  	[hbm4b:s6+s7] =	stream.indirect_vreg.scatter [tilespmem:s26], [sflag:$0xB], $0x80, v9, vm1, $0xb8;
	[tilespmem:$0x1F200] =	vst v63  }
0x1bf: {  	s31 =	simm.s32 $0xCA00  }
0x1c0: {  	[hbm4b:s17+s7] =	stream.indirect_vreg.scatter [tilespmem:s31], [sflag:$0xB], $0x80, v9, vm1, $0xb8;
	[tilespmem:$0x1F200] =	vst v63  }
0x1c1: {  	s10 =	simm.s32 $0x1  }
0x1c2: {  	s2 =	sand.u32 $0x3, s10  }
0x1c3: {  	s3 =	sadd.s32 $0x7, s2  }
0x1c4: {  	_ =	swait.ge [sflag:s3], $0x2000  }
0x1c5: {  	[sflag:s3] =	ssyncset.done $0x0  }
0x1c6: {  	s12 =	simm.s32 $0x9910;
	[sflag:s3] =	ssyncadd.s32 $0xFFFFE000  }
0x1c7: {  	v9 =	vld [tilespmem:s12+$0x0];
	_ =	sdelay $0x4  }
0x1c8: {  	v10 =	vshll.u32 v9, $0x2  }
0x1c9: {  	v9 =	vand.u32 $0x7, v9;
	v10 =	vand.u32 $0xFFFFFFE0, v10  }
0x1ca: {  	v9 =	vor.u32 v9, v10  }
0x1cb: {  	v10 =	vperm.xlane v9, v6;
	_ =	sdelay $0x1  }
0x1cc: {  	v10 =	vadd.s32 v7, v10;
	_ =	sdelay $0x1  }
0x1cd: {  	s23 =	smov.u32 s21;
	s21 =	smov.u32 s24;
	v9 =	vperm.xlane v9, v8  }
0x1ce: {  	s24 =	smov.u32 s20;
	s20 =	smov.u32 s19;
	s3 =	sshll.u32 s2, $0xD  }
0x1cf: {  	s19 =	smov.u32 s18;
	s2 =	sadd.s32 $0xB, s2;
	s5 =	sadd.s32 $0xB200, s3;
	v9 =	vadd.s32 v7, v9  }
0x1d0: {  	[hbm4b:s6+s7] =	stream.indirect_vreg.scatter [tilespmem:s5], [sflag:s2], $0x80, v10, vm1, $0xb8;
	[tilespmem:$0x1F200] =	vst v63  }
0x1d1: {  	s18 =	smov.u32 s9;
	s8 =	simm.s32 $0x4;
	s9 =	sadd.s32 $0xBA00, s3  }
0x1d2: {  	[hbm4b:s17+s7] =	stream.indirect_vreg.scatter [tilespmem:s9], [sflag:s2], $0x80, v10, vm1, $0xb8;
	[tilespmem:$0x1F200] =	vst v63  }
0x1d3: {  	s26 =	sadd.s32 $0xC200, s3;
	s5 =	sand.u32 $0x3, s8  }
0x1d4: {  	[hbm4b:s6+s7] =	stream.indirect_vreg.scatter [tilespmem:s26], [sflag:s2], $0x80, v9, vm1, $0xb8;
	[tilespmem:$0x1F200] =	vst v63  }
0x1d5: {  	s3 =	sadd.s32 $0xCA00, s3;
	s9 =	sadd.s32 $0xB, s5  }
0x1d6: {  	[hbm4b:s17+s7] =	stream.indirect_vreg.scatter [tilespmem:s3], [sflag:s2], $0x80, v9, vm1, $0xb8;
	[tilespmem:$0x1F200] =	vst v63  }
0x1d7: {  	_ =	swait.ge [sflag:s9], $0x2000  }
0x1d8: {  	[sflag:s9] =	ssyncset.done $0x0  }
0x1d9: {  	p2 =	sle.s32 s25, $0x4;
	s26 =	simm.s32 $0xA5C0;
	[sflag:s9] =	ssyncadd.s32 $0xFFFFE000  }
0x1da: {  	v9 =	vld @!p2 [tilespmem:s26+$0x0];
	_ =	sdelay $0x4  }
0x1db: {  	v10 =	vshll.u32 @!p2 v9, $0x2  }
0x1dc: {  	v11 =	vlaneseq.u32 @!p2;
	v9 =	vand.u32 @!p2 $0x7, v9;
	v10 =	vand.u32 @!p2 $0xFFFFFFE0, v10  }
0x1dd: {  	v12 =	vand.u32 @!p2 $0x7, v11;
	v13 =	vshrl.u32 @!p2 v11, $0x3;
	s2 =	simm.s32 $0xFFFFFFFF;
	v10 =	vor.u32 @!p2 v9, v10  }
0x1de: {  	s2 =	simm.s32 @!p1 $0x0;
	v9 =	vperm.xlane @!p2 v10, v12;
	v12 =	vmul.u32 @!p2 $0x8, v13  }
0x1df: {  	s2 =	sadd.s32 s2, s14  }
0x1e0: {  	s14 =	sadd.s32 $0xFFFFFFFF, s2;
	v9 =	vadd.s32 @!p2 v12, v9  }
0x1e1: {  	p1 =	sne.s32 s14, $0x1  }
.Ltmp25:
0x1e2: {  	v11 =	vor.u32 @!p2 $0x8, v11;
	(pc) =	sbr.rel @!p1 .LBB2_32-.Ltmp25, $4  }
0x1e3: {  	s2 =	sshll.u32 @!p2 s5, $0xD;
	v10 =	vperm.xlane @!p2 v10, v11  }
0x1e4: {  	vm2 =	vmmov @!p2 $0xffff;
	s8 =	simm.s32 @!p2 $0x0;
	s3 =	sadd.s32 @!p2 $0x7, s5;
	s31 =	sadd.s32 @!p2 $0xB200, s2  }
0x1e5: {  	v10 =	vadd.s32 @!p2 v12, v10;
	[tilespmem:s31], [sflag:s3] =	stream.indirect_vreg.gather @!p2 [hbm4b:s1+s8], $0x80, v9, vm2, $0xb8;
	[tilespmem:$0x1F200] =	vst v63  }
0x1e6: {  	s5 =	sadd.s32 @!p2 $0xC200, s2;
	s31 =	sadd.s32 @!p2 $0xBA00, s2;
	s2 =	sadd.s32 @!p2 $0xCA00, s2  }
.LBB2_31:
0x1e7: {  	s9 =	smov.u32 s10;
	s10 =	sadd.s32 $0x1, s10  }
0x1e8: {  	[tilespmem:s31], [sflag:s3] =	stream.indirect_vreg.gather @!p2 [hbm4b:s16+s8], $0x80, v9, vm2, $0xb8;
	[tilespmem:$0x1F200] =	vst v63  }
0x1e9: {  	s31 =	sand.u32 $0x3, s10;
	p1 =	sne.s32 s14, s10  }
0x1ea: {  	[tilespmem:s5], [sflag:s3] =	stream.indirect_vreg.gather @!p2 [hbm4b:s1+s8], $0x80, v10, vm2, $0xb8;
	[tilespmem:$0x1F200] =	vst v63  }
0x1eb: {  	s12 =	sadd.s32 $0x10, s12;
	s5 =	sadd.s32 $0x7, s31  }
0x1ec: {  	[tilespmem:s2], [sflag:s3] =	stream.indirect_vreg.gather @!p2 [hbm4b:s16+s8], $0x80, v10, vm2, $0xb8;
	[tilespmem:$0x1F200] =	vst v63  }
0x1ed: {  	_ =	swait.ge [sflag:s5], $0x2000  }
0x1ee: {  	[sflag:s5] =	ssyncset.done $0x0  }
0x1ef: {  	[sflag:s5] =	ssyncadd.s32 $0xFFFFE000  }
0x1f0: {  	v9 =	vld [tilespmem:s12+$0x0];
	_ =	sdelay $0x4  }
0x1f1: {  	v10 =	vshll.u32 v9, $0x2  }
0x1f2: {  	v9 =	vand.u32 $0x7, v9;
	v10 =	vand.u32 $0xFFFFFFE0, v10  }
0x1f3: {  	v9 =	vor.u32 v9, v10  }
0x1f4: {  	v10 =	vperm.xlane v9, v6;
	_ =	sdelay $0x1  }
0x1f5: {  	v10 =	vadd.s32 v7, v10  }
0x1f6: {  	v9 =	vperm.xlane v9, v8  }
0x1f7: {  	s2 =	sshll.u32 s31, $0xD  }
0x1f8: {  	s3 =	sadd.s32 $0xB200, s2;
	s5 =	sadd.s32 $0xB, s31;
	v9 =	vadd.s32 v7, v9;
	_ =	sdelay $0x1  }
0x1f9: {  	[hbm4b:s6+s7] =	stream.indirect_vreg.scatter [tilespmem:s3], [sflag:s5], $0x80, v10, vm1, $0xb8;
	[tilespmem:$0x1F200] =	vst v63  }
0x1fa: {  	s3 =	sadd.s32 $0xBA00, s2  }
0x1fb: {  	[hbm4b:s17+s7] =	stream.indirect_vreg.scatter [tilespmem:s3], [sflag:s5], $0x80, v10, vm1, $0xb8;
	[tilespmem:$0x1F200] =	vst v63  }
0x1fc: {  	s8 =	sadd.s32 $0x4, s9;
	s3 =	sadd.s32 $0xC200, s2  }
0x1fd: {  	[hbm4b:s6+s7] =	stream.indirect_vreg.scatter [tilespmem:s3], [sflag:s5], $0x80, v9, vm1, $0xb8;
	[tilespmem:$0x1F200] =	vst v63  }
0x1fe: {  	s26 =	sadd.s32 $0x10, s26;
	s2 =	sadd.s32 $0xCA00, s2;
	s3 =	sand.u32 $0x3, s8  }
0x1ff: {  	[hbm4b:s17+s7] =	stream.indirect_vreg.scatter [tilespmem:s2], [sflag:s5], $0x80, v9, vm1, $0xb8;
	[tilespmem:$0x1F200] =	vst v63  }
0x200: {  	s2 =	sadd.s32 $0xB, s3  }
0x201: {  	_ =	swait.ge [sflag:s2], $0x2000  }
0x202: {  	[sflag:s2] =	ssyncset.done $0x0  }
0x203: {  	p2 =	sge.s32 s8, s25;
	[sflag:s2] =	ssyncadd.s32 $0xFFFFE000  }
0x204: {  	v10 =	vlaneseq.u32 @!p2;
	s2 =	sshll.u32 @!p2 s3, $0xD;
	v9 =	vld @!p2 [tilespmem:s26+$0x0]  }
0x205: {  	v11 =	vand.u32 @!p2 $0x7, v10;
	v12 =	vshrl.u32 @!p2 v10, $0x3;
	v10 =	vor.u32 @!p2 $0x8, v10;
	s9 =	sadd.s32 @!p2 $0xB200, s2;
	s31 =	sadd.s32 @!p2 $0xBA00, s2;
	s5 =	sadd.s32 @!p2 $0xC200, s2  }
0x206: {  	s2 =	sadd.s32 @!p2 $0xCA00, s2;
	_ =	sdelay $0x2  }
0x207: {  	v13 =	vshll.u32 @!p2 v9, $0x2  }
0x208: {  	v9 =	vand.u32 @!p2 $0x7, v9;
	v13 =	vand.u32 @!p2 $0xFFFFFFE0, v13  }
0x209: {  	v9 =	vor.u32 @!p2 v9, v13  }
0x20a: {  	v12 =	vmul.u32 @!p2 $0x8, v12;
	v11 =	vperm.xlane @!p2 v9, v11;
	v10 =	vperm.xlane @!p2 v9, v10;
	_ =	sdelay $0x1  }
0x20b: {  	v9 =	vadd.s32 @!p2 v12, v11  }
.Ltmp26:
0x20c: {  	(pc) =	sbr.rel @p1 .LBB2_31-.Ltmp26, $3  }
0x20d: {  	_ =	sdelay $0x1  }
0x20e: {  	vm2 =	vmmov @!p2 $0xffff;
	s8 =	simm.s32 @!p2 $0x0;
	s3 =	sadd.s32 @!p2 $0x7, s3;
	v10 =	vadd.s32 @!p2 v12, v10  }
0x20f: {  	[tilespmem:s9], [sflag:s3] =	stream.indirect_vreg.gather @!p2 [hbm4b:s1+s8], $0x80, v9, vm2, $0xb8;
	[tilespmem:$0x1F200] =	vst v63  }
.Ltmp27:
0x210: {  	_ = 	snop;
	(pc) =	sbr.rel .LBB2_32-.Ltmp27, $1  }
0x211: {  	_ =	sdelay $0x3  }
.LBB2_35:
0x212: {  	_ =	sfence.sel $0x180000  }
0x213: {  	[bflag:$0x0] =	sbarrier.arrive $0xFFFF  }
0x214: {  	_ =	strace $0x90000047  }
0x215: {  	s0 =	stileid.u32;
	[bflag:$0x2] =	sbarrier.arrive $0xFFFF  }
0x216: {  	p0 =	sne.s32 s0, $0x0;
	s0 =	rddreg [dreg:$0x7]  }
0x217: {  	s0 =	sadd.s32 @!p0 $0x100000, s0  }
0x218: {  	[sflag:s0] =	ssyncadd.tile.s32 @!p0 $0x1;
	_ =	shalt  }
.Lfunc_end2:
_tile_overlayer_lowered:
.L_overlay_start_2:
0x219: {  	(tag) =	ssettag $0x2  }
0x21a: {  	s0 =	rddreg [dreg:$0x0];
	s2 =	stileid.u32  }
0x21b: {  	s1 =	rddreg [dreg:$0x1];
	p0 =	sne.s32 s2, $0x0  }
0x21c: {  	s3 =	rddreg [dreg:$0x2];
	[bflag:$0x3] =	sbarrier.arrive $0xFFFF;
	s2 =	simm.s32 @!p0 $0x1C0F  }
0x21d: {  	[timem:s3], [sflag:s2] =	dma.local @!p0 [hbm:s0], s1  }
0x21e: {  	s0 =	simm.s32 @!p0 $0xF  }
0x21f: {  	_ =	swait.ge @!p0 [sflag:s0], s1  }
0x220: {  	s1 =	ssub.s32 @!p0 $0x0, s1;
	[sflag:s0] =	ssyncset.done @!p0 $0x0  }
0x221: {  	[sflag:s0] =	ssyncadd.s32 @!p0 s1  }
0x222: {  	[bflag:$0x3] =	sbarrier.arrive $0xFFFF  }
0x223: {  	_ =	shalt  }

</sc_bundles>
